<compile_context>
chip_gen: v7x
topology: tpu7x:2x2x1
jax: 0.10.2.dev20260603
libtpu: 0.0.44.dev20260713+nightly
codegen_flags: <defaults>
</compile_context>

<pallas_src>
import functools

import jax
import jax.numpy as jnp
from jax import lax
from jax.experimental import pallas as pl
from jax.experimental.pallas import tpu as pltpu
from jax.experimental.pallas import tpu_sc as plsc

_KEEP_RATIO = 0.55
_ROW_BLOCK = 256

_SC_NC = 2
_SC_NS = 16
_SC_NW = _SC_NC * _SC_NS
_SC_ROWS = 2048


def _quant_kernel(x_ref, o_ref, *, k):
    xb = x_ref[...]
    a = jnp.abs(xb)
    amax = jnp.max(a, axis=-1, keepdims=True)
    amax_c = jnp.clip(amax, 1e-8, None)

    inv = (1.0 - 2.0**-20) / amax_c
    v = a * inv + 1.0
    u = (jax.lax.bitcast_convert_type(v, jnp.int32) >> 8).astype(jnp.int16)

    def body(i, carry):
        lo, hi = carry
        t = (lo + hi) >> 1
        m = (u >= t.astype(jnp.int16)).astype(jnp.int16)
        w = m.shape[-1]
        while w > 128:
            m = m[:, : w // 2] + m[:, w // 2 :]
            w //= 2
        cnt = jnp.sum(m.astype(jnp.int32), axis=-1, keepdims=True)
        take = cnt >= k
        return jnp.where(take, t, lo), jnp.where(take, hi, t)

    rshape = a.shape[:-1] + (1,)
    lo, _ = jax.lax.fori_loop(
        0, 15, body,
        (jnp.full(rshape, -32768, jnp.int32), jnp.zeros(rshape, jnp.int32)),
    )

    mask = u >= lo.astype(jnp.int16)
    scale = 127.0 / amax_c
    inv = amax_c * (1.0 / 127.0)
    q = jnp.round(jnp.where(mask, xb, 0.0) * scale)
    o_ref[...] = q * inv


def _make_sc_quant(rows, d, k):
    nv = d // 16
    nw_rows = rows // _SC_NW
    mesh = plsc.VectorSubcoreMesh(core_axis_name="c", subcore_axis_name="s")

    @functools.partial(
        pl.kernel,
        mesh=mesh,
        out_type=jax.ShapeDtypeStruct((rows, d), jnp.float32),
        scratch_types=[
            pltpu.VMEM((d,), jnp.float32),
            pltpu.VMEM((d,), jnp.int32),
        ],
    )
    def sck(x_hbm, o_hbm, row_v, u_v):
        wid = lax.axis_index("s") * _SC_NC + lax.axis_index("c")
        base = wid * nw_rows
        lanes = lax.iota(jnp.int32, 16)

        def _splat_reduce(m, op):
            for s in (1, 2, 4, 8):
                perm = (lanes + s) & 15
                m = op(m, m.at[perm].get(mode="promise_in_bounds"))
            return m

        def row_body(r, _):
            ridx = base + r
            pltpu.sync_copy(x_hbm.at[ridx], row_v)

            def amax_body(i, m):
                for jj in range(8):
                    m = jnp.maximum(
                        m, jnp.abs(row_v[pl.ds((i * 8 + jj) * 16, 16)])
                    )
                return m

            m = lax.fori_loop(0, nv // 8, amax_body, jnp.zeros((16,), jnp.float32))
            amax_c = jnp.maximum(_splat_reduce(m, jnp.maximum), 1e-8)
            inv = (1.0 - 2.0**-20) / amax_c

            def conv_body(i, _):
                for jj in range(8):
                    sl = pl.ds((i * 8 + jj) * 16, 16)
                    v = jnp.abs(row_v[sl]) * inv + 1.0
                    u_v[sl] = lax.bitcast_convert_type(v, jnp.int32) >> 8
                return 0

            lax.fori_loop(0, nv // 8, conv_body, 0)

            def search_body(it, carry):
                lo, hi = carry
                t = (lo + hi) >> 1

                def cnt_body(i, c):
                    for jj in range(8):
                        sl = pl.ds((i * 8 + jj) * 16, 16)
                        c = c + jnp.where(
                            u_v[sl] >= t, jnp.int32(1), jnp.int32(0)
                        )
                    return c

                cvec = lax.fori_loop(
                    0, nv // 8, cnt_body, jnp.zeros((16,), jnp.int32)
                )
                cnt = _splat_reduce(cvec, jnp.add)
                take = cnt >= k
                return jnp.where(take, t, lo), jnp.where(take, hi, t)

            lo, _ = lax.fori_loop(
                0, 15, search_body,
                (jnp.full((16,), 0x3F8000, jnp.int32),
                 jnp.full((16,), 0x400000, jnp.int32)),
            )

            scale = 127.0 / amax_c
            inv127 = amax_c * (1.0 / 127.0)

            def q_body(i, _):
                for jj in range(8):
                    sl = pl.ds((i * 8 + jj) * 16, 16)
                    xv = row_v[sl]
                    keep = u_v[sl] >= lo
                    y = xv * scale
                    qi = (jnp.abs(y) + 0.5).astype(jnp.int32)
                    qf = qi.astype(jnp.float32) * jnp.sign(y) * inv127
                    row_v[sl] = jnp.where(keep, qf, 0.0)
                return 0

            lax.fori_loop(0, nv // 8, q_body, 0)
            pltpu.sync_copy(row_v, o_hbm.at[ridx])
            return 0

        lax.fori_loop(0, nw_rows, row_body, 0)

    return sck


def kernel(x):
    orig_shape = x.shape
    d = x.shape[-1]
    k = max(1, int(d * _KEEP_RATIO))
    rows = 1
    for s in orig_shape[:-1]:
        rows *= s
    x2 = x.reshape(rows, d)

    sc_rows = _SC_ROWS if (rows > _SC_ROWS and d % 128 == 0) else 0
    tc_rows = rows - sc_rows

    rb = _ROW_BLOCK if tc_rows % _ROW_BLOCK == 0 else tc_rows

    if sc_rows:
        out_sc = _make_sc_quant(sc_rows, d, k)(x2[tc_rows:])

    out_tc = pl.pallas_call(
        functools.partial(_quant_kernel, k=k),
        grid=(tc_rows // rb,),
        in_specs=[pl.BlockSpec((rb, d), lambda i: (i, 0))],
        out_specs=pl.BlockSpec((rb, d), lambda i: (i, 0)),
        out_shape=jax.ShapeDtypeStruct((tc_rows, d), x.dtype),
    )(x2[:tc_rows])

    if sc_rows:
        out = jnp.concatenate([out_tc, out_sc], axis=0)
    else:
        out = out_tc
    return out.reshape(orig_shape)

# --- scband reference (transcript-rebuilt; emitter-appended) ---
"""Pipeline reference for scband-hybrid-quantizer-4269197492448 (READ-ONLY COPY).

The authoritative reference and input builder live on the scoring server;
editing this copy changes nothing except your own understanding.
"""

import jax, jax.numpy as jnp
import numpy as np

B, T, D = 4, 8192, 2048
TOPK_RATIO = 0.55


def setup_inputs(seed: int = 0) -> dict:
    key = jax.random.key(seed)
    x = jax.random.normal(key, (B, T, D), dtype=jnp.float32)
    return {"x": x}


def _topk_sparsify(x, keep_ratio):
    d = x.shape[-1]
    k = max(1, int(d * keep_ratio))
    flat = x.reshape(-1, d)
    absx = jnp.abs(flat)
    _, idx = jax.lax.top_k(absx, k)
    rows = jnp.arange(flat.shape[0])[:, None]
    mask = jnp.zeros(flat.shape, dtype=bool).at[rows, idx].set(True)
    return (flat * mask).reshape(x.shape)


def _absmax_quantize_int8(x):
    amax = jnp.clip(jnp.max(jnp.abs(x), axis=-1, keepdims=True), 1e-08, None)
    scale = 127.0 / amax
    x_q = jnp.clip(jnp.round(x * scale), -127.0, 127.0)
    return x_q / scale


def reference(x):
    x_q = _topk_sparsify(x, TOPK_RATIO)
    x_q = _absmax_quantize_int8(x_q)
    # STE: detach(x_q) + x - detach(x)
    return jax.lax.stop_gradient(x_q) + x - jax.lax.stop_gradient(x)

if __name__ == "__main__":
    import jax
    _d = setup_inputs()
    print(jax.jit(kernel)(*tuple(_d.values())))

</pallas_src>

<mosaic_0001>
#map = affine_map<(d0, d1) -> (0, 0)>
module attributes {stable_mosaic.version = 14 : i64} {
  func.func @sck(%arg0: i32, %arg1: i32, %arg2: memref<2048x2048xf32, #tpu.memory_space<hbm>>, %arg3: memref<2048x2048xf32, #tpu.memory_space<hbm>>, %arg4: memref<2048xf32, #tpu.memory_space<vmem>>, %arg5: memref<2048xi32, #tpu.memory_space<vmem>>) attributes {dimension_semantics = [#tpu.dimension_semantics<core_parallel>, #tpu.dimension_semantics<subcore_parallel>], iteration_bounds = array<i64: 2, 16>, scalar_prefetch = 0 : i64, scratch_operands = 2 : i64, tpu.core_type = #tpu.core_type<sc_vector_subcore>, window_params = [{transform_indices = #map}, {transform_indices = #map}]} {
    %mul3A = arith.constant 2 : i32
    %mul3A_0 = arith.muli %arg1, %mul3A : i32
    %add3A = arith.addi %mul3A_0, %arg0 : i32
    %mul3A_1 = arith.constant 64 : i32
    %mul3A_2 = arith.muli %add3A, %mul3A_1 : i32
    %iota3A = tpu.iota {dimensions = array<i32: 0>} : vector<16xi32>
    %scan3A = arith.constant 0 : i32
    %scan3A_3 = arith.constant 0 : i32
    %scan3A_4 = arith.constant 64 : i32
    %scan3A_5 = arith.addi %scan3A_3, %scan3A_4 : i32
    %scan3A_6 = arith.constant 1 : i32
    %scan3A_7 = scf.for %scan3A_9 = %scan3A_3 to %scan3A_5 step %scan3A_6 iter_args(%scan3A_10 = %scan3A) -> (i32)  : i32 {
      %add3A_11 = arith.addi %mul3A_2, %scan3A_9 : i32
      "tpu.region"() ({
        %run_scoped3A = tpu.sem_alloc : memref<!tpu.dma_semaphore, #tpu.memory_space<semaphore_mem>>
        %dma_start3A = arith.constant 0 : i32
        %dma_start3A_118 = tpu.memref_slice %arg2[%add3A_11, %dma_start3A] : memref<2048x2048xf32, #tpu.memory_space<hbm>> -> memref<1x2048xf32, #tpu.memory_space<hbm>>
        %dma_start3A_119 = tpu.memref_squeeze %dma_start3A_118 : memref<1x2048xf32, #tpu.memory_space<hbm>> -> memref<2048xf32, #tpu.memory_space<hbm>>
        %dma_start3A_120 = arith.constant 0 : i32
        %dma_start3A_121 = tpu.memref_slice %arg2[%add3A_11, %dma_start3A_120] : memref<2048x2048xf32, #tpu.memory_space<hbm>> -> memref<1x2048xf32, #tpu.memory_space<hbm>>
        %dma_start3A_122 = tpu.memref_squeeze %dma_start3A_121 : memref<1x2048xf32, #tpu.memory_space<hbm>> -> memref<2048xf32, #tpu.memory_space<hbm>>
        tpu.enqueue_dma source(%dma_start3A_122 : memref<2048xf32, #tpu.memory_space<hbm>>) target(%arg4 : memref<2048xf32, #tpu.memory_space<vmem>>) target_semaphore(%run_scoped3A : memref<!tpu.dma_semaphore, #tpu.memory_space<semaphore_mem>>)
        %dma_wait3A = arith.constant 0 : i32
        %dma_wait3A_123 = tpu.memref_slice %arg2[%add3A_11, %dma_wait3A] : memref<2048x2048xf32, #tpu.memory_space<hbm>> -> memref<1x2048xf32, #tpu.memory_space<hbm>>
        %dma_wait3A_124 = tpu.memref_squeeze %dma_wait3A_123 : memref<1x2048xf32, #tpu.memory_space<hbm>> -> memref<2048xf32, #tpu.memory_space<hbm>>
        %dma_wait3A_125 = arith.constant 0 : i32
        %dma_wait3A_126 = tpu.memref_slice %arg2[%add3A_11, %dma_wait3A_125] : memref<2048x2048xf32, #tpu.memory_space<hbm>> -> memref<1x2048xf32, #tpu.memory_space<hbm>>
        %dma_wait3A_127 = tpu.memref_squeeze %dma_wait3A_126 : memref<1x2048xf32, #tpu.memory_space<hbm>> -> memref<2048xf32, #tpu.memory_space<hbm>>
        tpu.wait_dma2 semaphore(%run_scoped3A : memref<!tpu.dma_semaphore, #tpu.memory_space<semaphore_mem>>) src(%dma_wait3A_127 : memref<2048xf32, #tpu.memory_space<hbm>>) dst(%arg4 : memref<2048xf32, #tpu.memory_space<vmem>>)
        tpu.yield
      }) : () -> ()
      %broadcast_in_dim3A = arith.constant 0.000000e+00 : f32
      %broadcast_in_dim3A_12 = vector.broadcast %broadcast_in_dim3A : f32 to vector<16xf32>
      %scan3A_13 = arith.constant 0 : i32
      %scan3A_14 = arith.constant 16 : i32
      %scan3A_15 = arith.addi %scan3A_13, %scan3A_14 : i32
      %scan3A_16 = arith.constant 1 : i32
      %scan3A_17 = scf.for %scan3A_118 = %scan3A_13 to %scan3A_15 step %scan3A_16 iter_args(%scan3A_119 = %broadcast_in_dim3A_12) -> (vector<16xf32>)  : i32 {
        %mul3A_120 = arith.constant 8 : i32
        %mul3A_121 = arith.muli %scan3A_118, %mul3A_120 : i32
        %add3A_122 = arith.constant 0 : i32
        %add3A_123 = arith.addi %mul3A_121, %add3A_122 : i32
        %mul3A_124 = arith.constant 16 : i32
        %mul3A_125 = arith.muli %add3A_123, %mul3A_124 : i32
        %get3A = arith.index_cast %mul3A_125 : i32 to index
        %get3A_126 = tpu.vector_load %arg4[%get3A] {strides = array<i32>} : memref<2048xf32, #tpu.memory_space<vmem>>, vector<16xf32>,
        %get3A_127 = vector.shape_cast %get3A_126 : vector<16xf32> to vector<16xf32>
        %abs3A = math.absf %get3A_127 : vector<16xf32>
        %max3A_128 = arith.maximumf %scan3A_119, %abs3A : vector<16xf32>
        %mul3A_129 = arith.constant 8 : i32
        %mul3A_130 = arith.muli %scan3A_118, %mul3A_129 : i32
        %add3A_131 = arith.constant 1 : i32
        %add3A_132 = arith.addi %mul3A_130, %add3A_131 : i32
        %mul3A_133 = arith.constant 16 : i32
        %mul3A_134 = arith.muli %add3A_132, %mul3A_133 : i32
        %get3A_135 = arith.index_cast %mul3A_134 : i32 to index
        %get3A_136 = tpu.vector_load %arg4[%get3A_135] {strides = array<i32>} : memref<2048xf32, #tpu.memory_space<vmem>>, vector<16xf32>,
        %get3A_137 = vector.shape_cast %get3A_136 : vector<16xf32> to vector<16xf32>
        %abs3A_138 = math.absf %get3A_137 : vector<16xf32>
        %max3A_139 = arith.maximumf %max3A_128, %abs3A_138 : vector<16xf32>
        %mul3A_140 = arith.constant 8 : i32
        %mul3A_141 = arith.muli %scan3A_118, %mul3A_140 : i32
        %add3A_142 = arith.constant 2 : i32
        %add3A_143 = arith.addi %mul3A_141, %add3A_142 : i32
        %mul3A_144 = arith.constant 16 : i32
        %mul3A_145 = arith.muli %add3A_143, %mul3A_144 : i32
        %get3A_146 = arith.index_cast %mul3A_145 : i32 to index
        %get3A_147 = tpu.vector_load %arg4[%get3A_146] {strides = array<i32>} : memref<2048xf32, #tpu.memory_space<vmem>>, vector<16xf32>,
        %get3A_148 = vector.shape_cast %get3A_147 : vector<16xf32> to vector<16xf32>
        %abs3A_149 = math.absf %get3A_148 : vector<16xf32>
        %max3A_150 = arith.maximumf %max3A_139, %abs3A_149 : vector<16xf32>
        %mul3A_151 = arith.constant 8 : i32
        %mul3A_152 = arith.muli %scan3A_118, %mul3A_151 : i32
        %add3A_153 = arith.constant 3 : i32
        %add3A_154 = arith.addi %mul3A_152, %add3A_153 : i32
        %mul3A_155 = arith.constant 16 : i32
        %mul3A_156 = arith.muli %add3A_154, %mul3A_155 : i32
        %get3A_157 = arith.index_cast %mul3A_156 : i32 to index
        %get3A_158 = tpu.vector_load %arg4[%get3A_157] {strides = array<i32>} : memref<2048xf32, #tpu.memory_space<vmem>>, vector<16xf32>,
        %get3A_159 = vector.shape_cast %get3A_158 : vector<16xf32> to vector<16xf32>
        %abs3A_160 = math.absf %get3A_159 : vector<16xf32>
        %max3A_161 = arith.maximumf %max3A_150, %abs3A_160 : vector<16xf32>
        %mul3A_162 = arith.constant 8 : i32
        %mul3A_163 = arith.muli %scan3A_118, %mul3A_162 : i32
        %add3A_164 = arith.constant 4 : i32
        %add3A_165 = arith.addi %mul3A_163, %add3A_164 : i32
        %mul3A_166 = arith.constant 16 : i32
        %mul3A_167 = arith.muli %add3A_165, %mul3A_166 : i32
        %get3A_168 = arith.index_cast %mul3A_167 : i32 to index
        %get3A_169 = tpu.vector_load %arg4[%get3A_168] {strides = array<i32>} : memref<2048xf32, #tpu.memory_space<vmem>>, vector<16xf32>,
        %get3A_170 = vector.shape_cast %get3A_169 : vector<16xf32> to vector<16xf32>
        %abs3A_171 = math.absf %get3A_170 : vector<16xf32>
        %max3A_172 = arith.maximumf %max3A_161, %abs3A_171 : vector<16xf32>
        %mul3A_173 = arith.constant 8 : i32
        %mul3A_174 = arith.muli %scan3A_118, %mul3A_173 : i32
        %add3A_175 = arith.constant 5 : i32
        %add3A_176 = arith.addi %mul3A_174, %add3A_175 : i32
        %mul3A_177 = arith.constant 16 : i32
        %mul3A_178 = arith.muli %add3A_176, %mul3A_177 : i32
        %get3A_179 = arith.index_cast %mul3A_178 : i32 to index
        %get3A_180 = tpu.vector_load %arg4[%get3A_179] {strides = array<i32>} : memref<2048xf32, #tpu.memory_space<vmem>>, vector<16xf32>,
        %get3A_181 = vector.shape_cast %get3A_180 : vector<16xf32> to vector<16xf32>
        %abs3A_182 = math.absf %get3A_181 : vector<16xf32>
        %max3A_183 = arith.maximumf %max3A_172, %abs3A_182 : vector<16xf32>
        %mul3A_184 = arith.constant 8 : i32
        %mul3A_185 = arith.muli %scan3A_118, %mul3A_184 : i32
        %add3A_186 = arith.constant 6 : i32
        %add3A_187 = arith.addi %mul3A_185, %add3A_186 : i32
        %mul3A_188 = arith.constant 16 : i32
        %mul3A_189 = arith.muli %add3A_187, %mul3A_188 : i32
        %get3A_190 = arith.index_cast %mul3A_189 : i32 to index
        %get3A_191 = tpu.vector_load %arg4[%get3A_190] {strides = array<i32>} : memref<2048xf32, #tpu.memory_space<vmem>>, vector<16xf32>,
        %get3A_192 = vector.shape_cast %get3A_191 : vector<16xf32> to vector<16xf32>
        %abs3A_193 = math.absf %get3A_192 : vector<16xf32>
        %max3A_194 = arith.maximumf %max3A_183, %abs3A_193 : vector<16xf32>
        %mul3A_195 = arith.constant 8 : i32
        %mul3A_196 = arith.muli %scan3A_118, %mul3A_195 : i32
        %add3A_197 = arith.constant 7 : i32
        %add3A_198 = arith.addi %mul3A_196, %add3A_197 : i32
        %mul3A_199 = arith.constant 16 : i32
        %mul3A_200 = arith.muli %add3A_198, %mul3A_199 : i32
        %get3A_201 = arith.index_cast %mul3A_200 : i32 to index
        %get3A_202 = tpu.vector_load %arg4[%get3A_201] {strides = array<i32>} : memref<2048xf32, #tpu.memory_space<vmem>>, vector<16xf32>,
        %get3A_203 = vector.shape_cast %get3A_202 : vector<16xf32> to vector<16xf32>
        %abs3A_204 = math.absf %get3A_203 : vector<16xf32>
        %max3A_205 = arith.maximumf %max3A_194, %abs3A_204 : vector<16xf32>
        scf.yield %max3A_205 : vector<16xf32>
      }
      %scan3A_18 = arith.constant 16 : i32
      %add3A_19 = arith.constant 1 : i32
      %add3A_20 = vector.broadcast %add3A_19 : i32 to vector<16xi32>
      %add3A_21 = arith.addi %iota3A, %add3A_20 : vector<16xi32>
      %and3A = arith.constant 15 : i32
      %and3A_22 = vector.broadcast %and3A : i32 to vector<16xi32>
      %and3A_23 = arith.andi %add3A_21, %and3A_22 : vector<16xi32>
      %lt3A = arith.constant 0 : i32
      %lt3A_24 = vector.broadcast %lt3A : i32 to vector<16xi32>
      %lt3A_25 = arith.cmpi slt, %and3A_23, %lt3A_24 : vector<16xi32>
      %add3A_26 = arith.constant 16 : i32
      %add3A_27 = vector.broadcast %add3A_26 : i32 to vector<16xi32>
      %add3A_28 = arith.addi %and3A_23, %add3A_27 : vector<16xi32>
      %select_n3A = arith.select %lt3A_25, %add3A_28, %and3A_23 : vector<16xi1>, vector<16xi32>
      %broadcast_in_dim3A_29 = vector.shape_cast %select_n3A : vector<16xi32> to vector<16x1xi32>
      %gather3A = vector.shape_cast %broadcast_in_dim3A_29 : vector<16x1xi32> to vector<16xi32>
      %gather3A_30 = tpu.dynamic_gather %scan3A_17[%gather3A] in [0] : vector<16xf32>, vector<16xi32> -> vector<16xf32>
      %max3A = arith.maximumf %scan3A_17, %gather3A_30 : vector<16xf32>
      %add3A_31 = arith.constant 2 : i32
      %add3A_32 = vector.broadcast %add3A_31 : i32 to vector<16xi32>
      %add3A_33 = arith.addi %iota3A, %add3A_32 : vector<16xi32>
      %and3A_34 = arith.constant 15 : i32
      %and3A_35 = vector.broadcast %and3A_34 : i32 to vector<16xi32>
      %and3A_36 = arith.andi %add3A_33, %and3A_35 : vector<16xi32>
      %lt3A_37 = arith.constant 0 : i32
      %lt3A_38 = vector.broadcast %lt3A_37 : i32 to vector<16xi32>
      %lt3A_39 = arith.cmpi slt, %and3A_36, %lt3A_38 : vector<16xi32>
      %add3A_40 = arith.constant 16 : i32
      %add3A_41 = vector.broadcast %add3A_40 : i32 to vector<16xi32>
      %add3A_42 = arith.addi %and3A_36, %add3A_41 : vector<16xi32>
      %select_n3A_43 = arith.select %lt3A_39, %add3A_42, %and3A_36 : vector<16xi1>, vector<16xi32>
      %broadcast_in_dim3A_44 = vector.shape_cast %select_n3A_43 : vector<16xi32> to vector<16x1xi32>
      %gather3A_45 = vector.shape_cast %broadcast_in_dim3A_44 : vector<16x1xi32> to vector<16xi32>
      %gather3A_46 = tpu.dynamic_gather %max3A[%gather3A_45] in [0] : vector<16xf32>, vector<16xi32> -> vector<16xf32>
      %max3A_47 = arith.maximumf %max3A, %gather3A_46 : vector<16xf32>
      %add3A_48 = arith.constant 4 : i32
      %add3A_49 = vector.broadcast %add3A_48 : i32 to vector<16xi32>
      %add3A_50 = arith.addi %iota3A, %add3A_49 : vector<16xi32>
      %and3A_51 = arith.constant 15 : i32
      %and3A_52 = vector.broadcast %and3A_51 : i32 to vector<16xi32>
      %and3A_53 = arith.andi %add3A_50, %and3A_52 : vector<16xi32>
      %lt3A_54 = arith.constant 0 : i32
      %lt3A_55 = vector.broadcast %lt3A_54 : i32 to vector<16xi32>
      %lt3A_56 = arith.cmpi slt, %and3A_53, %lt3A_55 : vector<16xi32>
      %add3A_57 = arith.constant 16 : i32
      %add3A_58 = vector.broadcast %add3A_57 : i32 to vector<16xi32>
      %add3A_59 = arith.addi %and3A_53, %add3A_58 : vector<16xi32>
      %select_n3A_60 = arith.select %lt3A_56, %add3A_59, %and3A_53 : vector<16xi1>, vector<16xi32>
      %broadcast_in_dim3A_61 = vector.shape_cast %select_n3A_60 : vector<16xi32> to vector<16x1xi32>
      %gather3A_62 = vector.shape_cast %broadcast_in_dim3A_61 : vector<16x1xi32> to vector<16xi32>
      %gather3A_63 = tpu.dynamic_gather %max3A_47[%gather3A_62] in [0] : vector<16xf32>, vector<16xi32> -> vector<16xf32>
      %max3A_64 = arith.maximumf %max3A_47, %gather3A_63 : vector<16xf32>
      %add3A_65 = arith.constant 8 : i32
      %add3A_66 = vector.broadcast %add3A_65 : i32 to vector<16xi32>
      %add3A_67 = arith.addi %iota3A, %add3A_66 : vector<16xi32>
      %and3A_68 = arith.constant 15 : i32
      %and3A_69 = vector.broadcast %and3A_68 : i32 to vector<16xi32>
      %and3A_70 = arith.andi %add3A_67, %and3A_69 : vector<16xi32>
      %lt3A_71 = arith.constant 0 : i32
      %lt3A_72 = vector.broadcast %lt3A_71 : i32 to vector<16xi32>
      %lt3A_73 = arith.cmpi slt, %and3A_70, %lt3A_72 : vector<16xi32>
      %add3A_74 = arith.constant 16 : i32
      %add3A_75 = vector.broadcast %add3A_74 : i32 to vector<16xi32>
      %add3A_76 = arith.addi %and3A_70, %add3A_75 : vector<16xi32>
      %select_n3A_77 = arith.select %lt3A_73, %add3A_76, %and3A_70 : vector<16xi1>, vector<16xi32>
      %broadcast_in_dim3A_78 = vector.shape_cast %select_n3A_77 : vector<16xi32> to vector<16x1xi32>
      %gather3A_79 = vector.shape_cast %broadcast_in_dim3A_78 : vector<16x1xi32> to vector<16xi32>
      %gather3A_80 = tpu.dynamic_gather %max3A_64[%gather3A_79] in [0] : vector<16xf32>, vector<16xi32> -> vector<16xf32>
      %max3A_81 = arith.maximumf %max3A_64, %gather3A_80 : vector<16xf32>
      %max3A_82 = arith.constant 9.99999993E-9 : f32
      %max3A_83 = vector.broadcast %max3A_82 : f32 to vector<16xf32>
      %max3A_84 = arith.maximumf %max3A_81, %max3A_83 : vector<16xf32>
      %div3A = arith.constant 0.999999046 : f32
      %div3A_85 = vector.broadcast %div3A : f32 to vector<16xf32>
      %div3A_86 = arith.divf %div3A_85, %max3A_84 : vector<16xf32>
      %scan3A_87 = arith.constant 0 : i32
      %scan3A_88 = arith.constant 0 : i32
      %scan3A_89 = arith.constant 16 : i32
      %scan3A_90 = arith.addi %scan3A_88, %scan3A_89 : i32
      %scan3A_91 = arith.constant 1 : i32
      %scan3A_92 = scf.for %scan3A_118 = %scan3A_88 to %scan3A_90 step %scan3A_91 iter_args(%scan3A_119 = %scan3A_87) -> (i32)  : i32 {
        %mul3A_120 = arith.constant 8 : i32
        %mul3A_121 = arith.muli %scan3A_118, %mul3A_120 : i32
        %add3A_122 = arith.constant 0 : i32
        %add3A_123 = arith.addi %mul3A_121, %add3A_122 : i32
        %mul3A_124 = arith.constant 16 : i32
        %mul3A_125 = arith.muli %add3A_123, %mul3A_124 : i32
        %get3A = arith.index_cast %mul3A_125 : i32 to index
        %get3A_126 = tpu.vector_load %arg4[%get3A] {strides = array<i32>} : memref<2048xf32, #tpu.memory_space<vmem>>, vector<16xf32>,
        %get3A_127 = vector.shape_cast %get3A_126 : vector<16xf32> to vector<16xf32>
        %abs3A = math.absf %get3A_127 : vector<16xf32>
        %mul3A_128 = arith.mulf %abs3A, %div3A_86 : vector<16xf32>
        %add3A_129 = arith.constant 1.000000e+00 : f32
        %add3A_130 = vector.broadcast %add3A_129 : f32 to vector<16xf32>
        %add3A_131 = arith.addf %mul3A_128, %add3A_130 : vector<16xf32>
        %bitcast_convert_type3A = tpu.bitcast %add3A_131 : vector<16xf32> -> vector<16xi32>
        %shift_right_arithmetic3A = arith.constant 8 : i32
        %shift_right_arithmetic3A_132 = vector.broadcast %shift_right_arithmetic3A : i32 to vector<16xi32>
        %shift_right_arithmetic3A_133 = arith.shrsi %bitcast_convert_type3A, %shift_right_arithmetic3A_132 : vector<16xi32>
        %swap3A = arith.index_cast %mul3A_125 : i32 to index
        %swap3A_134 = tpu.vector_load %arg5[%swap3A] {strides = array<i32>} : memref<2048xi32, #tpu.memory_space<vmem>>, vector<16xi32>,
        %swap3A_135 = vector.shape_cast %swap3A_134 : vector<16xi32> to vector<16xi32>
        %swap3A_136 = vector.shape_cast %shift_right_arithmetic3A_133 : vector<16xi32> to vector<16xi32>
        tpu.vector_store %arg5[%swap3A], %swap3A_136 {strides = array<i32>} : memref<2048xi32, #tpu.memory_space<vmem>>, vector<16xi32>,
        %mul3A_137 = arith.constant 8 : i32
        %mul3A_138 = arith.muli %scan3A_118, %mul3A_137 : i32
        %add3A_139 = arith.constant 1 : i32
        %add3A_140 = arith.addi %mul3A_138, %add3A_139 : i32
        %mul3A_141 = arith.constant 16 : i32
        %mul3A_142 = arith.muli %add3A_140, %mul3A_141 : i32
        %get3A_143 = arith.index_cast %mul3A_142 : i32 to index
        %get3A_144 = tpu.vector_load %arg4[%get3A_143] {strides = array<i32>} : memref<2048xf32, #tpu.memory_space<vmem>>, vector<16xf32>,
        %get3A_145 = vector.shape_cast %get3A_144 : vector<16xf32> to vector<16xf32>
        %abs3A_146 = math.absf %get3A_145 : vector<16xf32>
        %mul3A_147 = arith.mulf %abs3A_146, %div3A_86 : vector<16xf32>
        %add3A_148 = arith.constant 1.000000e+00 : f32
        %add3A_149 = vector.broadcast %add3A_148 : f32 to vector<16xf32>
        %add3A_150 = arith.addf %mul3A_147, %add3A_149 : vector<16xf32>
        %bitcast_convert_type3A_151 = tpu.bitcast %add3A_150 : vector<16xf32> -> vector<16xi32>
        %shift_right_arithmetic3A_152 = arith.constant 8 : i32
        %shift_right_arithmetic3A_153 = vector.broadcast %shift_right_arithmetic3A_152 : i32 to vector<16xi32>
        %shift_right_arithmetic3A_154 = arith.shrsi %bitcast_convert_type3A_151, %shift_right_arithmetic3A_153 : vector<16xi32>
        %swap3A_155 = arith.index_cast %mul3A_142 : i32 to index
        %swap3A_156 = tpu.vector_load %arg5[%swap3A_155] {strides = array<i32>} : memref<2048xi32, #tpu.memory_space<vmem>>, vector<16xi32>,
        %swap3A_157 = vector.shape_cast %swap3A_156 : vector<16xi32> to vector<16xi32>
        %swap3A_158 = vector.shape_cast %shift_right_arithmetic3A_154 : vector<16xi32> to vector<16xi32>
        tpu.vector_store %arg5[%swap3A_155], %swap3A_158 {strides = array<i32>} : memref<2048xi32, #tpu.memory_space<vmem>>, vector<16xi32>,
        %mul3A_159 = arith.constant 8 : i32
        %mul3A_160 = arith.muli %scan3A_118, %mul3A_159 : i32
        %add3A_161 = arith.constant 2 : i32
        %add3A_162 = arith.addi %mul3A_160, %add3A_161 : i32
        %mul3A_163 = arith.constant 16 : i32
        %mul3A_164 = arith.muli %add3A_162, %mul3A_163 : i32
        %get3A_165 = arith.index_cast %mul3A_164 : i32 to index
        %get3A_166 = tpu.vector_load %arg4[%get3A_165] {strides = array<i32>} : memref<2048xf32, #tpu.memory_space<vmem>>, vector<16xf32>,
        %get3A_167 = vector.shape_cast %get3A_166 : vector<16xf32> to vector<16xf32>
        %abs3A_168 = math.absf %get3A_167 : vector<16xf32>
        %mul3A_169 = arith.mulf %abs3A_168, %div3A_86 : vector<16xf32>
        %add3A_170 = arith.constant 1.000000e+00 : f32
        %add3A_171 = vector.broadcast %add3A_170 : f32 to vector<16xf32>
        %add3A_172 = arith.addf %mul3A_169, %add3A_171 : vector<16xf32>
        %bitcast_convert_type3A_173 = tpu.bitcast %add3A_172 : vector<16xf32> -> vector<16xi32>
        %shift_right_arithmetic3A_174 = arith.constant 8 : i32
        %shift_right_arithmetic3A_175 = vector.broadcast %shift_right_arithmetic3A_174 : i32 to vector<16xi32>
        %shift_right_arithmetic3A_176 = arith.shrsi %bitcast_convert_type3A_173, %shift_right_arithmetic3A_175 : vector<16xi32>
        %swap3A_177 = arith.index_cast %mul3A_164 : i32 to index
        %swap3A_178 = tpu.vector_load %arg5[%swap3A_177] {strides = array<i32>} : memref<2048xi32, #tpu.memory_space<vmem>>, vector<16xi32>,
        %swap3A_179 = vector.shape_cast %swap3A_178 : vector<16xi32> to vector<16xi32>
        %swap3A_180 = vector.shape_cast %shift_right_arithmetic3A_176 : vector<16xi32> to vector<16xi32>
        tpu.vector_store %arg5[%swap3A_177], %swap3A_180 {strides = array<i32>} : memref<2048xi32, #tpu.memory_space<vmem>>, vector<16xi32>,
        %mul3A_181 = arith.constant 8 : i32
        %mul3A_182 = arith.muli %scan3A_118, %mul3A_181 : i32
        %add3A_183 = arith.constant 3 : i32
        %add3A_184 = arith.addi %mul3A_182, %add3A_183 : i32
        %mul3A_185 = arith.constant 16 : i32
        %mul3A_186 = arith.muli %add3A_184, %mul3A_185 : i32
        %get3A_187 = arith.index_cast %mul3A_186 : i32 to index
        %get3A_188 = tpu.vector_load %arg4[%get3A_187] {strides = array<i32>} : memref<2048xf32, #tpu.memory_space<vmem>>, vector<16xf32>,
        %get3A_189 = vector.shape_cast %get3A_188 : vector<16xf32> to vector<16xf32>
        %abs3A_190 = math.absf %get3A_189 : vector<16xf32>
        %mul3A_191 = arith.mulf %abs3A_190, %div3A_86 : vector<16xf32>
        %add3A_192 = arith.constant 1.000000e+00 : f32
        %add3A_193 = vector.broadcast %add3A_192 : f32 to vector<16xf32>
        %add3A_194 = arith.addf %mul3A_191, %add3A_193 : vector<16xf32>
        %bitcast_convert_type3A_195 = tpu.bitcast %add3A_194 : vector<16xf32> -> vector<16xi32>
        %shift_right_arithmetic3A_196 = arith.constant 8 : i32
        %shift_right_arithmetic3A_197 = vector.broadcast %shift_right_arithmetic3A_196 : i32 to vector<16xi32>
        %shift_right_arithmetic3A_198 = arith.shrsi %bitcast_convert_type3A_195, %shift_right_arithmetic3A_197 : vector<16xi32>
        %swap3A_199 = arith.index_cast %mul3A_186 : i32 to index
        %swap3A_200 = tpu.vector_load %arg5[%swap3A_199] {strides = array<i32>} : memref<2048xi32, #tpu.memory_space<vmem>>, vector<16xi32>,
        %swap3A_201 = vector.shape_cast %swap3A_200 : vector<16xi32> to vector<16xi32>
        %swap3A_202 = vector.shape_cast %shift_right_arithmetic3A_198 : vector<16xi32> to vector<16xi32>
        tpu.vector_store %arg5[%swap3A_199], %swap3A_202 {strides = array<i32>} : memref<2048xi32, #tpu.memory_space<vmem>>, vector<16xi32>,
        %mul3A_203 = arith.constant 8 : i32
        %mul3A_204 = arith.muli %scan3A_118, %mul3A_203 : i32
        %add3A_205 = arith.constant 4 : i32
        %add3A_206 = arith.addi %mul3A_204, %add3A_205 : i32
        %mul3A_207 = arith.constant 16 : i32
        %mul3A_208 = arith.muli %add3A_206, %mul3A_207 : i32
        %get3A_209 = arith.index_cast %mul3A_208 : i32 to index
        %get3A_210 = tpu.vector_load %arg4[%get3A_209] {strides = array<i32>} : memref<2048xf32, #tpu.memory_space<vmem>>, vector<16xf32>,
        %get3A_211 = vector.shape_cast %get3A_210 : vector<16xf32> to vector<16xf32>
        %abs3A_212 = math.absf %get3A_211 : vector<16xf32>
        %mul3A_213 = arith.mulf %abs3A_212, %div3A_86 : vector<16xf32>
        %add3A_214 = arith.constant 1.000000e+00 : f32
        %add3A_215 = vector.broadcast %add3A_214 : f32 to vector<16xf32>
        %add3A_216 = arith.addf %mul3A_213, %add3A_215 : vector<16xf32>
        %bitcast_convert_type3A_217 = tpu.bitcast %add3A_216 : vector<16xf32> -> vector<16xi32>
        %shift_right_arithmetic3A_218 = arith.constant 8 : i32
        %shift_right_arithmetic3A_219 = vector.broadcast %shift_right_arithmetic3A_218 : i32 to vector<16xi32>
        %shift_right_arithmetic3A_220 = arith.shrsi %bitcast_convert_type3A_217, %shift_right_arithmetic3A_219 : vector<16xi32>
        %swap3A_221 = arith.index_cast %mul3A_208 : i32 to index
        %swap3A_222 = tpu.vector_load %arg5[%swap3A_221] {strides = array<i32>} : memref<2048xi32, #tpu.memory_space<vmem>>, vector<16xi32>,
        %swap3A_223 = vector.shape_cast %swap3A_222 : vector<16xi32> to vector<16xi32>
        %swap3A_224 = vector.shape_cast %shift_right_arithmetic3A_220 : vector<16xi32> to vector<16xi32>
        tpu.vector_store %arg5[%swap3A_221], %swap3A_224 {strides = array<i32>} : memref<2048xi32, #tpu.memory_space<vmem>>, vector<16xi32>,
        %mul3A_225 = arith.constant 8 : i32
        %mul3A_226 = arith.muli %scan3A_118, %mul3A_225 : i32
        %add3A_227 = arith.constant 5 : i32
        %add3A_228 = arith.addi %mul3A_226, %add3A_227 : i32
        %mul3A_229 = arith.constant 16 : i32
        %mul3A_230 = arith.muli %add3A_228, %mul3A_229 : i32
        %get3A_231 = arith.index_cast %mul3A_230 : i32 to index
        %get3A_232 = tpu.vector_load %arg4[%get3A_231] {strides = array<i32>} : memref<2048xf32, #tpu.memory_space<vmem>>, vector<16xf32>,
        %get3A_233 = vector.shape_cast %get3A_232 : vector<16xf32> to vector<16xf32>
        %abs3A_234 = math.absf %get3A_233 : vector<16xf32>
        %mul3A_235 = arith.mulf %abs3A_234, %div3A_86 : vector<16xf32>
        %add3A_236 = arith.constant 1.000000e+00 : f32
        %add3A_237 = vector.broadcast %add3A_236 : f32 to vector<16xf32>
        %add3A_238 = arith.addf %mul3A_235, %add3A_237 : vector<16xf32>
        %bitcast_convert_type3A_239 = tpu.bitcast %add3A_238 : vector<16xf32> -> vector<16xi32>
        %shift_right_arithmetic3A_240 = arith.constant 8 : i32
        %shift_right_arithmetic3A_241 = vector.broadcast %shift_right_arithmetic3A_240 : i32 to vector<16xi32>
        %shift_right_arithmetic3A_242 = arith.shrsi %bitcast_convert_type3A_239, %shift_right_arithmetic3A_241 : vector<16xi32>
        %swap3A_243 = arith.index_cast %mul3A_230 : i32 to index
        %swap3A_244 = tpu.vector_load %arg5[%swap3A_243] {strides = array<i32>} : memref<2048xi32, #tpu.memory_space<vmem>>, vector<16xi32>,
        %swap3A_245 = vector.shape_cast %swap3A_244 : vector<16xi32> to vector<16xi32>
        %swap3A_246 = vector.shape_cast %shift_right_arithmetic3A_242 : vector<16xi32> to vector<16xi32>
        tpu.vector_store %arg5[%swap3A_243], %swap3A_246 {strides = array<i32>} : memref<2048xi32, #tpu.memory_space<vmem>>, vector<16xi32>,
        %mul3A_247 = arith.constant 8 : i32
        %mul3A_248 = arith.muli %scan3A_118, %mul3A_247 : i32
        %add3A_249 = arith.constant 6 : i32
        %add3A_250 = arith.addi %mul3A_248, %add3A_249 : i32
        %mul3A_251 = arith.constant 16 : i32
        %mul3A_252 = arith.muli %add3A_250, %mul3A_251 : i32
        %get3A_253 = arith.index_cast %mul3A_252 : i32 to index
        %get3A_254 = tpu.vector_load %arg4[%get3A_253] {strides = array<i32>} : memref<2048xf32, #tpu.memory_space<vmem>>, vector<16xf32>,
        %get3A_255 = vector.shape_cast %get3A_254 : vector<16xf32> to vector<16xf32>
        %abs3A_256 = math.absf %get3A_255 : vector<16xf32>
        %mul3A_257 = arith.mulf %abs3A_256, %div3A_86 : vector<16xf32>
        %add3A_258 = arith.constant 1.000000e+00 : f32
        %add3A_259 = vector.broadcast %add3A_258 : f32 to vector<16xf32>
        %add3A_260 = arith.addf %mul3A_257, %add3A_259 : vector<16xf32>
        %bitcast_convert_type3A_261 = tpu.bitcast %add3A_260 : vector<16xf32> -> vector<16xi32>
        %shift_right_arithmetic3A_262 = arith.constant 8 : i32
        %shift_right_arithmetic3A_263 = vector.broadcast %shift_right_arithmetic3A_262 : i32 to vector<16xi32>
        %shift_right_arithmetic3A_264 = arith.shrsi %bitcast_convert_type3A_261, %shift_right_arithmetic3A_263 : vector<16xi32>
        %swap3A_265 = arith.index_cast %mul3A_252 : i32 to index
        %swap3A_266 = tpu.vector_load %arg5[%swap3A_265] {strides = array<i32>} : memref<2048xi32, #tpu.memory_space<vmem>>, vector<16xi32>,
        %swap3A_267 = vector.shape_cast %swap3A_266 : vector<16xi32> to vector<16xi32>
        %swap3A_268 = vector.shape_cast %shift_right_arithmetic3A_264 : vector<16xi32> to vector<16xi32>
        tpu.vector_store %arg5[%swap3A_265], %swap3A_268 {strides = array<i32>} : memref<2048xi32, #tpu.memory_space<vmem>>, vector<16xi32>,
        %mul3A_269 = arith.constant 8 : i32
        %mul3A_270 = arith.muli %scan3A_118, %mul3A_269 : i32
        %add3A_271 = arith.constant 7 : i32
        %add3A_272 = arith.addi %mul3A_270, %add3A_271 : i32
        %mul3A_273 = arith.constant 16 : i32
        %mul3A_274 = arith.muli %add3A_272, %mul3A_273 : i32
        %get3A_275 = arith.index_cast %mul3A_274 : i32 to index
        %get3A_276 = tpu.vector_load %arg4[%get3A_275] {strides = array<i32>} : memref<2048xf32, #tpu.memory_space<vmem>>, vector<16xf32>,
        %get3A_277 = vector.shape_cast %get3A_276 : vector<16xf32> to vector<16xf32>
        %abs3A_278 = math.absf %get3A_277 : vector<16xf32>
        %mul3A_279 = arith.mulf %abs3A_278, %div3A_86 : vector<16xf32>
        %add3A_280 = arith.constant 1.000000e+00 : f32
        %add3A_281 = vector.broadcast %add3A_280 : f32 to vector<16xf32>
        %add3A_282 = arith.addf %mul3A_279, %add3A_281 : vector<16xf32>
        %bitcast_convert_type3A_283 = tpu.bitcast %add3A_282 : vector<16xf32> -> vector<16xi32>
        %shift_right_arithmetic3A_284 = arith.constant 8 : i32
        %shift_right_arithmetic3A_285 = vector.broadcast %shift_right_arithmetic3A_284 : i32 to vector<16xi32>
        %shift_right_arithmetic3A_286 = arith.shrsi %bitcast_convert_type3A_283, %shift_right_arithmetic3A_285 : vector<16xi32>
        %swap3A_287 = arith.index_cast %mul3A_274 : i32 to index
        %swap3A_288 = tpu.vector_load %arg5[%swap3A_287] {strides = array<i32>} : memref<2048xi32, #tpu.memory_space<vmem>>, vector<16xi32>,
        %swap3A_289 = vector.shape_cast %swap3A_288 : vector<16xi32> to vector<16xi32>
        %swap3A_290 = vector.shape_cast %shift_right_arithmetic3A_286 : vector<16xi32> to vector<16xi32>
        tpu.vector_store %arg5[%swap3A_287], %swap3A_290 {strides = array<i32>} : memref<2048xi32, #tpu.memory_space<vmem>>, vector<16xi32>,
        %scan3A_291 = arith.constant 0 : i32
        scf.yield %scan3A_291 : i32
      }
      %scan3A_93 = arith.constant 16 : i32
      %broadcast_in_dim3A_94 = arith.constant 4161536 : i32
      %broadcast_in_dim3A_95 = vector.broadcast %broadcast_in_dim3A_94 : i32 to vector<16xi32>
      %broadcast_in_dim3A_96 = arith.constant 4194304 : i32
      %broadcast_in_dim3A_97 = vector.broadcast %broadcast_in_dim3A_96 : i32 to vector<16xi32>
      %scan3A_98 = arith.constant 0 : i32
      %scan3A_99 = arith.constant 15 : i32
      %scan3A_100 = arith.addi %scan3A_98, %scan3A_99 : i32
      %scan3A_101 = arith.constant 1 : i32
      %scan3A_102:2 = scf.for %scan3A_118 = %scan3A_98 to %scan3A_100 step %scan3A_101 iter_args(%scan3A_119 = %broadcast_in_dim3A_95, %scan3A_120 = %broadcast_in_dim3A_97) -> (vector<16xi32>, vector<16xi32>)  : i32 {
        %add3A_121 = arith.addi %scan3A_119, %scan3A_120 : vector<16xi32>
        %shift_right_arithmetic3A = arith.constant 1 : i32
        %shift_right_arithmetic3A_122 = vector.broadcast %shift_right_arithmetic3A : i32 to vector<16xi32>
        %shift_right_arithmetic3A_123 = arith.shrsi %add3A_121, %shift_right_arithmetic3A_122 : vector<16xi32>
        %broadcast_in_dim3A_124 = arith.constant 0 : i32
        %broadcast_in_dim3A_125 = vector.broadcast %broadcast_in_dim3A_124 : i32 to vector<16xi32>
        %scan3A_126 = arith.constant 0 : i32
        %scan3A_127 = arith.constant 16 : i32
        %scan3A_128 = arith.addi %scan3A_126, %scan3A_127 : i32
        %scan3A_129 = arith.constant 1 : i32
        %scan3A_130 = scf.for %scan3A_204 = %scan3A_126 to %scan3A_128 step %scan3A_129 iter_args(%scan3A_205 = %broadcast_in_dim3A_125) -> (vector<16xi32>)  : i32 {
          %mul3A_206 = arith.constant 8 : i32
          %mul3A_207 = arith.muli %scan3A_204, %mul3A_206 : i32
          %add3A_208 = arith.constant 0 : i32
          %add3A_209 = arith.addi %mul3A_207, %add3A_208 : i32
          %mul3A_210 = arith.constant 16 : i32
          %mul3A_211 = arith.muli %add3A_209, %mul3A_210 : i32
          %get3A = arith.index_cast %mul3A_211 : i32 to index
          %get3A_212 = tpu.vector_load %arg5[%get3A] {strides = array<i32>} : memref<2048xi32, #tpu.memory_space<vmem>>, vector<16xi32>,
          %get3A_213 = vector.shape_cast %get3A_212 : vector<16xi32> to vector<16xi32>
          %ge3A_214 = arith.cmpi sge, %get3A_213, %shift_right_arithmetic3A_123 : vector<16xi32>
          %jit3A = arith.constant 1 : i32
          %jit3A_215 = arith.constant 0 : i32
          %broadcast_in_dim3A_216 = vector.broadcast %jit3A : i32 to vector<16xi32>
          %broadcast_in_dim3A_217 = vector.broadcast %jit3A_215 : i32 to vector<16xi32>
          %select_n3A_218 = arith.select %ge3A_214, %broadcast_in_dim3A_216, %broadcast_in_dim3A_217 : vector<16xi1>, vector<16xi32>
          %add3A_219 = arith.addi %scan3A_205, %select_n3A_218 : vector<16xi32>
          %mul3A_220 = arith.constant 8 : i32
          %mul3A_221 = arith.muli %scan3A_204, %mul3A_220 : i32
          %add3A_222 = arith.constant 1 : i32
          %add3A_223 = arith.addi %mul3A_221, %add3A_222 : i32
          %mul3A_224 = arith.constant 16 : i32
          %mul3A_225 = arith.muli %add3A_223, %mul3A_224 : i32
          %get3A_226 = arith.index_cast %mul3A_225 : i32 to index
          %get3A_227 = tpu.vector_load %arg5[%get3A_226] {strides = array<i32>} : memref<2048xi32, #tpu.memory_space<vmem>>, vector<16xi32>,
          %get3A_228 = vector.shape_cast %get3A_227 : vector<16xi32> to vector<16xi32>
          %ge3A_229 = arith.cmpi sge, %get3A_228, %shift_right_arithmetic3A_123 : vector<16xi32>
          %jit3A_230 = arith.constant 1 : i32
          %jit3A_231 = arith.constant 0 : i32
          %broadcast_in_dim3A_232 = vector.broadcast %jit3A_230 : i32 to vector<16xi32>
          %broadcast_in_dim3A_233 = vector.broadcast %jit3A_231 : i32 to vector<16xi32>
          %select_n3A_234 = arith.select %ge3A_229, %broadcast_in_dim3A_232, %broadcast_in_dim3A_233 : vector<16xi1>, vector<16xi32>
          %add3A_235 = arith.addi %add3A_219, %select_n3A_234 : vector<16xi32>
          %mul3A_236 = arith.constant 8 : i32
          %mul3A_237 = arith.muli %scan3A_204, %mul3A_236 : i32
          %add3A_238 = arith.constant 2 : i32
          %add3A_239 = arith.addi %mul3A_237, %add3A_238 : i32
          %mul3A_240 = arith.constant 16 : i32
          %mul3A_241 = arith.muli %add3A_239, %mul3A_240 : i32
          %get3A_242 = arith.index_cast %mul3A_241 : i32 to index
          %get3A_243 = tpu.vector_load %arg5[%get3A_242] {strides = array<i32>} : memref<2048xi32, #tpu.memory_space<vmem>>, vector<16xi32>,
          %get3A_244 = vector.shape_cast %get3A_243 : vector<16xi32> to vector<16xi32>
          %ge3A_245 = arith.cmpi sge, %get3A_244, %shift_right_arithmetic3A_123 : vector<16xi32>
          %jit3A_246 = arith.constant 1 : i32
          %jit3A_247 = arith.constant 0 : i32
          %broadcast_in_dim3A_248 = vector.broadcast %jit3A_246 : i32 to vector<16xi32>
          %broadcast_in_dim3A_249 = vector.broadcast %jit3A_247 : i32 to vector<16xi32>
          %select_n3A_250 = arith.select %ge3A_245, %broadcast_in_dim3A_248, %broadcast_in_dim3A_249 : vector<16xi1>, vector<16xi32>
          %add3A_251 = arith.addi %add3A_235, %select_n3A_250 : vector<16xi32>
          %mul3A_252 = arith.constant 8 : i32
          %mul3A_253 = arith.muli %scan3A_204, %mul3A_252 : i32
          %add3A_254 = arith.constant 3 : i32
          %add3A_255 = arith.addi %mul3A_253, %add3A_254 : i32
          %mul3A_256 = arith.constant 16 : i32
          %mul3A_257 = arith.muli %add3A_255, %mul3A_256 : i32
          %get3A_258 = arith.index_cast %mul3A_257 : i32 to index
          %get3A_259 = tpu.vector_load %arg5[%get3A_258] {strides = array<i32>} : memref<2048xi32, #tpu.memory_space<vmem>>, vector<16xi32>,
          %get3A_260 = vector.shape_cast %get3A_259 : vector<16xi32> to vector<16xi32>
          %ge3A_261 = arith.cmpi sge, %get3A_260, %shift_right_arithmetic3A_123 : vector<16xi32>
          %jit3A_262 = arith.constant 1 : i32
          %jit3A_263 = arith.constant 0 : i32
          %broadcast_in_dim3A_264 = vector.broadcast %jit3A_262 : i32 to vector<16xi32>
          %broadcast_in_dim3A_265 = vector.broadcast %jit3A_263 : i32 to vector<16xi32>
          %select_n3A_266 = arith.select %ge3A_261, %broadcast_in_dim3A_264, %broadcast_in_dim3A_265 : vector<16xi1>, vector<16xi32>
          %add3A_267 = arith.addi %add3A_251, %select_n3A_266 : vector<16xi32>
          %mul3A_268 = arith.constant 8 : i32
          %mul3A_269 = arith.muli %scan3A_204, %mul3A_268 : i32
          %add3A_270 = arith.constant 4 : i32
          %add3A_271 = arith.addi %mul3A_269, %add3A_270 : i32
          %mul3A_272 = arith.constant 16 : i32
          %mul3A_273 = arith.muli %add3A_271, %mul3A_272 : i32
          %get3A_274 = arith.index_cast %mul3A_273 : i32 to index
          %get3A_275 = tpu.vector_load %arg5[%get3A_274] {strides = array<i32>} : memref<2048xi32, #tpu.memory_space<vmem>>, vector<16xi32>,
          %get3A_276 = vector.shape_cast %get3A_275 : vector<16xi32> to vector<16xi32>
          %ge3A_277 = arith.cmpi sge, %get3A_276, %shift_right_arithmetic3A_123 : vector<16xi32>
          %jit3A_278 = arith.constant 1 : i32
          %jit3A_279 = arith.constant 0 : i32
          %broadcast_in_dim3A_280 = vector.broadcast %jit3A_278 : i32 to vector<16xi32>
          %broadcast_in_dim3A_281 = vector.broadcast %jit3A_279 : i32 to vector<16xi32>
          %select_n3A_282 = arith.select %ge3A_277, %broadcast_in_dim3A_280, %broadcast_in_dim3A_281 : vector<16xi1>, vector<16xi32>
          %add3A_283 = arith.addi %add3A_267, %select_n3A_282 : vector<16xi32>
          %mul3A_284 = arith.constant 8 : i32
          %mul3A_285 = arith.muli %scan3A_204, %mul3A_284 : i32
          %add3A_286 = arith.constant 5 : i32
          %add3A_287 = arith.addi %mul3A_285, %add3A_286 : i32
          %mul3A_288 = arith.constant 16 : i32
          %mul3A_289 = arith.muli %add3A_287, %mul3A_288 : i32
          %get3A_290 = arith.index_cast %mul3A_289 : i32 to index
          %get3A_291 = tpu.vector_load %arg5[%get3A_290] {strides = array<i32>} : memref<2048xi32, #tpu.memory_space<vmem>>, vector<16xi32>,
          %get3A_292 = vector.shape_cast %get3A_291 : vector<16xi32> to vector<16xi32>
          %ge3A_293 = arith.cmpi sge, %get3A_292, %shift_right_arithmetic3A_123 : vector<16xi32>
          %jit3A_294 = arith.constant 1 : i32
          %jit3A_295 = arith.constant 0 : i32
          %broadcast_in_dim3A_296 = vector.broadcast %jit3A_294 : i32 to vector<16xi32>
          %broadcast_in_dim3A_297 = vector.broadcast %jit3A_295 : i32 to vector<16xi32>
          %select_n3A_298 = arith.select %ge3A_293, %broadcast_in_dim3A_296, %broadcast_in_dim3A_297 : vector<16xi1>, vector<16xi32>
          %add3A_299 = arith.addi %add3A_283, %select_n3A_298 : vector<16xi32>
          %mul3A_300 = arith.constant 8 : i32
          %mul3A_301 = arith.muli %scan3A_204, %mul3A_300 : i32
          %add3A_302 = arith.constant 6 : i32
          %add3A_303 = arith.addi %mul3A_301, %add3A_302 : i32
          %mul3A_304 = arith.constant 16 : i32
          %mul3A_305 = arith.muli %add3A_303, %mul3A_304 : i32
          %get3A_306 = arith.index_cast %mul3A_305 : i32 to index
          %get3A_307 = tpu.vector_load %arg5[%get3A_306] {strides = array<i32>} : memref<2048xi32, #tpu.memory_space<vmem>>, vector<16xi32>,
          %get3A_308 = vector.shape_cast %get3A_307 : vector<16xi32> to vector<16xi32>
          %ge3A_309 = arith.cmpi sge, %get3A_308, %shift_right_arithmetic3A_123 : vector<16xi32>
          %jit3A_310 = arith.constant 1 : i32
          %jit3A_311 = arith.constant 0 : i32
          %broadcast_in_dim3A_312 = vector.broadcast %jit3A_310 : i32 to vector<16xi32>
          %broadcast_in_dim3A_313 = vector.broadcast %jit3A_311 : i32 to vector<16xi32>
          %select_n3A_314 = arith.select %ge3A_309, %broadcast_in_dim3A_312, %broadcast_in_dim3A_313 : vector<16xi1>, vector<16xi32>
          %add3A_315 = arith.addi %add3A_299, %select_n3A_314 : vector<16xi32>
          %mul3A_316 = arith.constant 8 : i32
          %mul3A_317 = arith.muli %scan3A_204, %mul3A_316 : i32
          %add3A_318 = arith.constant 7 : i32
          %add3A_319 = arith.addi %mul3A_317, %add3A_318 : i32
          %mul3A_320 = arith.constant 16 : i32
          %mul3A_321 = arith.muli %add3A_319, %mul3A_320 : i32
          %get3A_322 = arith.index_cast %mul3A_321 : i32 to index
          %get3A_323 = tpu.vector_load %arg5[%get3A_322] {strides = array<i32>} : memref<2048xi32, #tpu.memory_space<vmem>>, vector<16xi32>,
          %get3A_324 = vector.shape_cast %get3A_323 : vector<16xi32> to vector<16xi32>
          %ge3A_325 = arith.cmpi sge, %get3A_324, %shift_right_arithmetic3A_123 : vector<16xi32>
          %jit3A_326 = arith.constant 1 : i32
          %jit3A_327 = arith.constant 0 : i32
          %broadcast_in_dim3A_328 = vector.broadcast %jit3A_326 : i32 to vector<16xi32>
          %broadcast_in_dim3A_329 = vector.broadcast %jit3A_327 : i32 to vector<16xi32>
          %select_n3A_330 = arith.select %ge3A_325, %broadcast_in_dim3A_328, %broadcast_in_dim3A_329 : vector<16xi1>, vector<16xi32>
          %add3A_331 = arith.addi %add3A_315, %select_n3A_330 : vector<16xi32>
          scf.yield %add3A_331 : vector<16xi32>
        }
        %scan3A_131 = arith.constant 16 : i32
        %add3A_132 = arith.constant 1 : i32
        %add3A_133 = vector.broadcast %add3A_132 : i32 to vector<16xi32>
        %add3A_134 = arith.addi %iota3A, %add3A_133 : vector<16xi32>
        %and3A_135 = arith.constant 15 : i32
        %and3A_136 = vector.broadcast %and3A_135 : i32 to vector<16xi32>
        %and3A_137 = arith.andi %add3A_134, %and3A_136 : vector<16xi32>
        %lt3A_138 = arith.constant 0 : i32
        %lt3A_139 = vector.broadcast %lt3A_138 : i32 to vector<16xi32>
        %lt3A_140 = arith.cmpi slt, %and3A_137, %lt3A_139 : vector<16xi32>
        %add3A_141 = arith.constant 16 : i32
        %add3A_142 = vector.broadcast %add3A_141 : i32 to vector<16xi32>
        %add3A_143 = arith.addi %and3A_137, %add3A_142 : vector<16xi32>
        %select_n3A_144 = arith.select %lt3A_140, %add3A_143, %and3A_137 : vector<16xi1>, vector<16xi32>
        %broadcast_in_dim3A_145 = vector.shape_cast %select_n3A_144 : vector<16xi32> to vector<16x1xi32>
        %gather3A_146 = vector.shape_cast %broadcast_in_dim3A_145 : vector<16x1xi32> to vector<16xi32>
        %gather3A_147 = tpu.dynamic_gather %scan3A_130[%gather3A_146] in [0] : vector<16xi32>, vector<16xi32> -> vector<16xi32>
        %add3A_148 = arith.addi %scan3A_130, %gather3A_147 : vector<16xi32>
        %add3A_149 = arith.constant 2 : i32
        %add3A_150 = vector.broadcast %add3A_149 : i32 to vector<16xi32>
        %add3A_151 = arith.addi %iota3A, %add3A_150 : vector<16xi32>
        %and3A_152 = arith.constant 15 : i32
        %and3A_153 = vector.broadcast %and3A_152 : i32 to vector<16xi32>
        %and3A_154 = arith.andi %add3A_151, %and3A_153 : vector<16xi32>
        %lt3A_155 = arith.constant 0 : i32
        %lt3A_156 = vector.broadcast %lt3A_155 : i32 to vector<16xi32>
        %lt3A_157 = arith.cmpi slt, %and3A_154, %lt3A_156 : vector<16xi32>
        %add3A_158 = arith.constant 16 : i32
        %add3A_159 = vector.broadcast %add3A_158 : i32 to vector<16xi32>
        %add3A_160 = arith.addi %and3A_154, %add3A_159 : vector<16xi32>
        %select_n3A_161 = arith.select %lt3A_157, %add3A_160, %and3A_154 : vector<16xi1>, vector<16xi32>
        %broadcast_in_dim3A_162 = vector.shape_cast %select_n3A_161 : vector<16xi32> to vector<16x1xi32>
        %gather3A_163 = vector.shape_cast %broadcast_in_dim3A_162 : vector<16x1xi32> to vector<16xi32>
        %gather3A_164 = tpu.dynamic_gather %add3A_148[%gather3A_163] in [0] : vector<16xi32>, vector<16xi32> -> vector<16xi32>
        %add3A_165 = arith.addi %add3A_148, %gather3A_164 : vector<16xi32>
        %add3A_166 = arith.constant 4 : i32
        %add3A_167 = vector.broadcast %add3A_166 : i32 to vector<16xi32>
        %add3A_168 = arith.addi %iota3A, %add3A_167 : vector<16xi32>
        %and3A_169 = arith.constant 15 : i32
        %and3A_170 = vector.broadcast %and3A_169 : i32 to vector<16xi32>
        %and3A_171 = arith.andi %add3A_168, %and3A_170 : vector<16xi32>
        %lt3A_172 = arith.constant 0 : i32
        %lt3A_173 = vector.broadcast %lt3A_172 : i32 to vector<16xi32>
        %lt3A_174 = arith.cmpi slt, %and3A_171, %lt3A_173 : vector<16xi32>
        %add3A_175 = arith.constant 16 : i32
        %add3A_176 = vector.broadcast %add3A_175 : i32 to vector<16xi32>
        %add3A_177 = arith.addi %and3A_171, %add3A_176 : vector<16xi32>
        %select_n3A_178 = arith.select %lt3A_174, %add3A_177, %and3A_171 : vector<16xi1>, vector<16xi32>
        %broadcast_in_dim3A_179 = vector.shape_cast %select_n3A_178 : vector<16xi32> to vector<16x1xi32>
        %gather3A_180 = vector.shape_cast %broadcast_in_dim3A_179 : vector<16x1xi32> to vector<16xi32>
        %gather3A_181 = tpu.dynamic_gather %add3A_165[%gather3A_180] in [0] : vector<16xi32>, vector<16xi32> -> vector<16xi32>
        %add3A_182 = arith.addi %add3A_165, %gather3A_181 : vector<16xi32>
        %add3A_183 = arith.constant 8 : i32
        %add3A_184 = vector.broadcast %add3A_183 : i32 to vector<16xi32>
        %add3A_185 = arith.addi %iota3A, %add3A_184 : vector<16xi32>
        %and3A_186 = arith.constant 15 : i32
        %and3A_187 = vector.broadcast %and3A_186 : i32 to vector<16xi32>
        %and3A_188 = arith.andi %add3A_185, %and3A_187 : vector<16xi32>
        %lt3A_189 = arith.constant 0 : i32
        %lt3A_190 = vector.broadcast %lt3A_189 : i32 to vector<16xi32>
        %lt3A_191 = arith.cmpi slt, %and3A_188, %lt3A_190 : vector<16xi32>
        %add3A_192 = arith.constant 16 : i32
        %add3A_193 = vector.broadcast %add3A_192 : i32 to vector<16xi32>
        %add3A_194 = arith.addi %and3A_188, %add3A_193 : vector<16xi32>
        %select_n3A_195 = arith.select %lt3A_191, %add3A_194, %and3A_188 : vector<16xi1>, vector<16xi32>
        %broadcast_in_dim3A_196 = vector.shape_cast %select_n3A_195 : vector<16xi32> to vector<16x1xi32>
        %gather3A_197 = vector.shape_cast %broadcast_in_dim3A_196 : vector<16x1xi32> to vector<16xi32>
        %gather3A_198 = tpu.dynamic_gather %add3A_182[%gather3A_197] in [0] : vector<16xi32>, vector<16xi32> -> vector<16xi32>
        %add3A_199 = arith.addi %add3A_182, %gather3A_198 : vector<16xi32>
        %ge3A = arith.constant 1126 : i32
        %ge3A_200 = vector.broadcast %ge3A : i32 to vector<16xi32>
        %ge3A_201 = arith.cmpi sge, %add3A_199, %ge3A_200 : vector<16xi32>
        %select_n3A_202 = arith.select %ge3A_201, %shift_right_arithmetic3A_123, %scan3A_119 : vector<16xi1>, vector<16xi32>
        %select_n3A_203 = arith.select %ge3A_201, %scan3A_120, %shift_right_arithmetic3A_123 : vector<16xi1>, vector<16xi32>
        scf.yield %select_n3A_202, %select_n3A_203 : vector<16xi32>, vector<16xi32>
      }
      %scan3A_103 = arith.constant 15 : i32
      %div3A_104 = arith.constant 1.270000e+02 : f32
      %div3A_105 = vector.broadcast %div3A_104 : f32 to vector<16xf32>
      %div3A_106 = arith.divf %div3A_105, %max3A_84 : vector<16xf32>
      %mul3A_107 = arith.constant 0.00787401571 : f32
      %mul3A_108 = vector.broadcast %mul3A_107 : f32 to vector<16xf32>
      %mul3A_109 = arith.mulf %max3A_84, %mul3A_108 : vector<16xf32>
      %scan3A_110 = arith.constant 0 : i32
      %scan3A_111 = arith.constant 0 : i32
      %scan3A_112 = arith.constant 16 : i32
      %scan3A_113 = arith.addi %scan3A_111, %scan3A_112 : i32
      %scan3A_114 = arith.constant 1 : i32
      %scan3A_115 = scf.for %scan3A_118 = %scan3A_111 to %scan3A_113 step %scan3A_114 iter_args(%scan3A_119 = %scan3A_110) -> (i32)  : i32 {
        %mul3A_120 = arith.constant 8 : i32
        %mul3A_121 = arith.muli %scan3A_118, %mul3A_120 : i32
        %add3A_122 = arith.constant 0 : i32
        %add3A_123 = arith.addi %mul3A_121, %add3A_122 : i32
        %mul3A_124 = arith.constant 16 : i32
        %mul3A_125 = arith.muli %add3A_123, %mul3A_124 : i32
        %get3A = arith.index_cast %mul3A_125 : i32 to index
        %get3A_126 = tpu.vector_load %arg4[%get3A] {strides = array<i32>} : memref<2048xf32, #tpu.memory_space<vmem>>, vector<16xf32>,
        %get3A_127 = vector.shape_cast %get3A_126 : vector<16xf32> to vector<16xf32>
        %get3A_128 = arith.index_cast %mul3A_125 : i32 to index
        %get3A_129 = tpu.vector_load %arg5[%get3A_128] {strides = array<i32>} : memref<2048xi32, #tpu.memory_space<vmem>>, vector<16xi32>,
        %get3A_130 = vector.shape_cast %get3A_129 : vector<16xi32> to vector<16xi32>
        %ge3A = arith.cmpi sge, %get3A_130, %scan3A_102#0 : vector<16xi32>
        %mul3A_131 = arith.mulf %get3A_127, %div3A_106 : vector<16xf32>
        %abs3A = math.absf %mul3A_131 : vector<16xf32>
        %add3A_132 = arith.constant 5.000000e-01 : f32
        %add3A_133 = vector.broadcast %add3A_132 : f32 to vector<16xf32>
        %add3A_134 = arith.addf %abs3A, %add3A_133 : vector<16xf32>
        %convert_element_type3A = arith.fptosi %add3A_134 : vector<16xf32> to vector<16xi32>
        %convert_element_type3A_135 = arith.sitofp %convert_element_type3A : vector<16xi32> to vector<16xf32>
        %sign3A = tpu.bitcast %mul3A_131 : vector<16xf32> -> vector<16xi32>
        %sign3A_136 = arith.constant -2147483648 : i32
        %sign3A_137 = vector.broadcast %sign3A_136 : i32 to vector<16xi32>
        %sign3A_138 = arith.andi %sign3A, %sign3A_137 : vector<16xi32>
        %sign3A_139 = arith.constant 1065353216 : i32
        %sign3A_140 = vector.broadcast %sign3A_139 : i32 to vector<16xi32>
        %sign3A_141 = arith.ori %sign3A_140, %sign3A_138 : vector<16xi32>
        %sign3A_142 = tpu.bitcast %sign3A_141 : vector<16xi32> -> vector<16xf32>
        %sign3A_143 = math.absf %mul3A_131 : vector<16xf32>
        %sign3A_144 = arith.constant 0.000000e+00 : f32
        %sign3A_145 = vector.broadcast %sign3A_144 : f32 to vector<16xf32>
        %sign3A_146 = arith.cmpf ogt, %sign3A_143, %sign3A_145 : vector<16xf32>
        %sign3A_147 = arith.select %sign3A_146, %sign3A_142, %mul3A_131 : vector<16xi1>, vector<16xf32>
        %mul3A_148 = arith.mulf %convert_element_type3A_135, %sign3A_147 : vector<16xf32>
        %mul3A_149 = arith.mulf %mul3A_148, %mul3A_109 : vector<16xf32>
        %jit3A = arith.constant 0.000000e+00 : f32
        %broadcast_in_dim3A_150 = vector.broadcast %jit3A : f32 to vector<16xf32>
        %select_n3A_151 = arith.select %ge3A, %mul3A_149, %broadcast_in_dim3A_150 : vector<16xi1>, vector<16xf32>
        %swap3A = arith.index_cast %mul3A_125 : i32 to index
        %swap3A_152 = tpu.vector_load %arg4[%swap3A] {strides = array<i32>} : memref<2048xf32, #tpu.memory_space<vmem>>, vector<16xf32>,
        %swap3A_153 = vector.shape_cast %swap3A_152 : vector<16xf32> to vector<16xf32>
        %swap3A_154 = vector.shape_cast %select_n3A_151 : vector<16xf32> to vector<16xf32>
        tpu.vector_store %arg4[%swap3A], %swap3A_154 {strides = array<i32>} : memref<2048xf32, #tpu.memory_space<vmem>>, vector<16xf32>,
        %mul3A_155 = arith.constant 8 : i32
        %mul3A_156 = arith.muli %scan3A_118, %mul3A_155 : i32
        %add3A_157 = arith.constant 1 : i32
        %add3A_158 = arith.addi %mul3A_156, %add3A_157 : i32
        %mul3A_159 = arith.constant 16 : i32
        %mul3A_160 = arith.muli %add3A_158, %mul3A_159 : i32
        %get3A_161 = arith.index_cast %mul3A_160 : i32 to index
        %get3A_162 = tpu.vector_load %arg4[%get3A_161] {strides = array<i32>} : memref<2048xf32, #tpu.memory_space<vmem>>, vector<16xf32>,
        %get3A_163 = vector.shape_cast %get3A_162 : vector<16xf32> to vector<16xf32>
        %get3A_164 = arith.index_cast %mul3A_160 : i32 to index
        %get3A_165 = tpu.vector_load %arg5[%get3A_164] {strides = array<i32>} : memref<2048xi32, #tpu.memory_space<vmem>>, vector<16xi32>,
        %get3A_166 = vector.shape_cast %get3A_165 : vector<16xi32> to vector<16xi32>
        %ge3A_167 = arith.cmpi sge, %get3A_166, %scan3A_102#0 : vector<16xi32>
        %mul3A_168 = arith.mulf %get3A_163, %div3A_106 : vector<16xf32>
        %abs3A_169 = math.absf %mul3A_168 : vector<16xf32>
        %add3A_170 = arith.constant 5.000000e-01 : f32
        %add3A_171 = vector.broadcast %add3A_170 : f32 to vector<16xf32>
        %add3A_172 = arith.addf %abs3A_169, %add3A_171 : vector<16xf32>
        %convert_element_type3A_173 = arith.fptosi %add3A_172 : vector<16xf32> to vector<16xi32>
        %convert_element_type3A_174 = arith.sitofp %convert_element_type3A_173 : vector<16xi32> to vector<16xf32>
        %sign3A_175 = tpu.bitcast %mul3A_168 : vector<16xf32> -> vector<16xi32>
        %sign3A_176 = arith.constant -2147483648 : i32
        %sign3A_177 = vector.broadcast %sign3A_176 : i32 to vector<16xi32>
        %sign3A_178 = arith.andi %sign3A_175, %sign3A_177 : vector<16xi32>
        %sign3A_179 = arith.constant 1065353216 : i32
        %sign3A_180 = vector.broadcast %sign3A_179 : i32 to vector<16xi32>
        %sign3A_181 = arith.ori %sign3A_180, %sign3A_178 : vector<16xi32>
        %sign3A_182 = tpu.bitcast %sign3A_181 : vector<16xi32> -> vector<16xf32>
        %sign3A_183 = math.absf %mul3A_168 : vector<16xf32>
        %sign3A_184 = arith.constant 0.000000e+00 : f32
        %sign3A_185 = vector.broadcast %sign3A_184 : f32 to vector<16xf32>
        %sign3A_186 = arith.cmpf ogt, %sign3A_183, %sign3A_185 : vector<16xf32>
        %sign3A_187 = arith.select %sign3A_186, %sign3A_182, %mul3A_168 : vector<16xi1>, vector<16xf32>
        %mul3A_188 = arith.mulf %convert_element_type3A_174, %sign3A_187 : vector<16xf32>
        %mul3A_189 = arith.mulf %mul3A_188, %mul3A_109 : vector<16xf32>
        %jit3A_190 = arith.constant 0.000000e+00 : f32
        %broadcast_in_dim3A_191 = vector.broadcast %jit3A_190 : f32 to vector<16xf32>
        %select_n3A_192 = arith.select %ge3A_167, %mul3A_189, %broadcast_in_dim3A_191 : vector<16xi1>, vector<16xf32>
        %swap3A_193 = arith.index_cast %mul3A_160 : i32 to index
        %swap3A_194 = tpu.vector_load %arg4[%swap3A_193] {strides = array<i32>} : memref<2048xf32, #tpu.memory_space<vmem>>, vector<16xf32>,
        %swap3A_195 = vector.shape_cast %swap3A_194 : vector<16xf32> to vector<16xf32>
        %swap3A_196 = vector.shape_cast %select_n3A_192 : vector<16xf32> to vector<16xf32>
        tpu.vector_store %arg4[%swap3A_193], %swap3A_196 {strides = array<i32>} : memref<2048xf32, #tpu.memory_space<vmem>>, vector<16xf32>,
        %mul3A_197 = arith.constant 8 : i32
        %mul3A_198 = arith.muli %scan3A_118, %mul3A_197 : i32
        %add3A_199 = arith.constant 2 : i32
        %add3A_200 = arith.addi %mul3A_198, %add3A_199 : i32
        %mul3A_201 = arith.constant 16 : i32
        %mul3A_202 = arith.muli %add3A_200, %mul3A_201 : i32
        %get3A_203 = arith.index_cast %mul3A_202 : i32 to index
        %get3A_204 = tpu.vector_load %arg4[%get3A_203] {strides = array<i32>} : memref<2048xf32, #tpu.memory_space<vmem>>, vector<16xf32>,
        %get3A_205 = vector.shape_cast %get3A_204 : vector<16xf32> to vector<16xf32>
        %get3A_206 = arith.index_cast %mul3A_202 : i32 to index
        %get3A_207 = tpu.vector_load %arg5[%get3A_206] {strides = array<i32>} : memref<2048xi32, #tpu.memory_space<vmem>>, vector<16xi32>,
        %get3A_208 = vector.shape_cast %get3A_207 : vector<16xi32> to vector<16xi32>
        %ge3A_209 = arith.cmpi sge, %get3A_208, %scan3A_102#0 : vector<16xi32>
        %mul3A_210 = arith.mulf %get3A_205, %div3A_106 : vector<16xf32>
        %abs3A_211 = math.absf %mul3A_210 : vector<16xf32>
        %add3A_212 = arith.constant 5.000000e-01 : f32
        %add3A_213 = vector.broadcast %add3A_212 : f32 to vector<16xf32>
        %add3A_214 = arith.addf %abs3A_211, %add3A_213 : vector<16xf32>
        %convert_element_type3A_215 = arith.fptosi %add3A_214 : vector<16xf32> to vector<16xi32>
        %convert_element_type3A_216 = arith.sitofp %convert_element_type3A_215 : vector<16xi32> to vector<16xf32>
        %sign3A_217 = tpu.bitcast %mul3A_210 : vector<16xf32> -> vector<16xi32>
        %sign3A_218 = arith.constant -2147483648 : i32
        %sign3A_219 = vector.broadcast %sign3A_218 : i32 to vector<16xi32>
        %sign3A_220 = arith.andi %sign3A_217, %sign3A_219 : vector<16xi32>
        %sign3A_221 = arith.constant 1065353216 : i32
        %sign3A_222 = vector.broadcast %sign3A_221 : i32 to vector<16xi32>
        %sign3A_223 = arith.ori %sign3A_222, %sign3A_220 : vector<16xi32>
        %sign3A_224 = tpu.bitcast %sign3A_223 : vector<16xi32> -> vector<16xf32>
        %sign3A_225 = math.absf %mul3A_210 : vector<16xf32>
        %sign3A_226 = arith.constant 0.000000e+00 : f32
        %sign3A_227 = vector.broadcast %sign3A_226 : f32 to vector<16xf32>
        %sign3A_228 = arith.cmpf ogt, %sign3A_225, %sign3A_227 : vector<16xf32>
        %sign3A_229 = arith.select %sign3A_228, %sign3A_224, %mul3A_210 : vector<16xi1>, vector<16xf32>
        %mul3A_230 = arith.mulf %convert_element_type3A_216, %sign3A_229 : vector<16xf32>
        %mul3A_231 = arith.mulf %mul3A_230, %mul3A_109 : vector<16xf32>
        %jit3A_232 = arith.constant 0.000000e+00 : f32
        %broadcast_in_dim3A_233 = vector.broadcast %jit3A_232 : f32 to vector<16xf32>
        %select_n3A_234 = arith.select %ge3A_209, %mul3A_231, %broadcast_in_dim3A_233 : vector<16xi1>, vector<16xf32>
        %swap3A_235 = arith.index_cast %mul3A_202 : i32 to index
        %swap3A_236 = tpu.vector_load %arg4[%swap3A_235] {strides = array<i32>} : memref<2048xf32, #tpu.memory_space<vmem>>, vector<16xf32>,
        %swap3A_237 = vector.shape_cast %swap3A_236 : vector<16xf32> to vector<16xf32>
        %swap3A_238 = vector.shape_cast %select_n3A_234 : vector<16xf32> to vector<16xf32>
        tpu.vector_store %arg4[%swap3A_235], %swap3A_238 {strides = array<i32>} : memref<2048xf32, #tpu.memory_space<vmem>>, vector<16xf32>,
        %mul3A_239 = arith.constant 8 : i32
        %mul3A_240 = arith.muli %scan3A_118, %mul3A_239 : i32
        %add3A_241 = arith.constant 3 : i32
        %add3A_242 = arith.addi %mul3A_240, %add3A_241 : i32
        %mul3A_243 = arith.constant 16 : i32
        %mul3A_244 = arith.muli %add3A_242, %mul3A_243 : i32
        %get3A_245 = arith.index_cast %mul3A_244 : i32 to index
        %get3A_246 = tpu.vector_load %arg4[%get3A_245] {strides = array<i32>} : memref<2048xf32, #tpu.memory_space<vmem>>, vector<16xf32>,
        %get3A_247 = vector.shape_cast %get3A_246 : vector<16xf32> to vector<16xf32>
        %get3A_248 = arith.index_cast %mul3A_244 : i32 to index
        %get3A_249 = tpu.vector_load %arg5[%get3A_248] {strides = array<i32>} : memref<2048xi32, #tpu.memory_space<vmem>>, vector<16xi32>,
        %get3A_250 = vector.shape_cast %get3A_249 : vector<16xi32> to vector<16xi32>
        %ge3A_251 = arith.cmpi sge, %get3A_250, %scan3A_102#0 : vector<16xi32>
        %mul3A_252 = arith.mulf %get3A_247, %div3A_106 : vector<16xf32>
        %abs3A_253 = math.absf %mul3A_252 : vector<16xf32>
        %add3A_254 = arith.constant 5.000000e-01 : f32
        %add3A_255 = vector.broadcast %add3A_254 : f32 to vector<16xf32>
        %add3A_256 = arith.addf %abs3A_253, %add3A_255 : vector<16xf32>
        %convert_element_type3A_257 = arith.fptosi %add3A_256 : vector<16xf32> to vector<16xi32>
        %convert_element_type3A_258 = arith.sitofp %convert_element_type3A_257 : vector<16xi32> to vector<16xf32>
        %sign3A_259 = tpu.bitcast %mul3A_252 : vector<16xf32> -> vector<16xi32>
        %sign3A_260 = arith.constant -2147483648 : i32
        %sign3A_261 = vector.broadcast %sign3A_260 : i32 to vector<16xi32>
        %sign3A_262 = arith.andi %sign3A_259, %sign3A_261 : vector<16xi32>
        %sign3A_263 = arith.constant 1065353216 : i32
        %sign3A_264 = vector.broadcast %sign3A_263 : i32 to vector<16xi32>
        %sign3A_265 = arith.ori %sign3A_264, %sign3A_262 : vector<16xi32>
        %sign3A_266 = tpu.bitcast %sign3A_265 : vector<16xi32> -> vector<16xf32>
        %sign3A_267 = math.absf %mul3A_252 : vector<16xf32>
        %sign3A_268 = arith.constant 0.000000e+00 : f32
        %sign3A_269 = vector.broadcast %sign3A_268 : f32 to vector<16xf32>
        %sign3A_270 = arith.cmpf ogt, %sign3A_267, %sign3A_269 : vector<16xf32>
        %sign3A_271 = arith.select %sign3A_270, %sign3A_266, %mul3A_252 : vector<16xi1>, vector<16xf32>
        %mul3A_272 = arith.mulf %convert_element_type3A_258, %sign3A_271 : vector<16xf32>
        %mul3A_273 = arith.mulf %mul3A_272, %mul3A_109 : vector<16xf32>
        %jit3A_274 = arith.constant 0.000000e+00 : f32
        %broadcast_in_dim3A_275 = vector.broadcast %jit3A_274 : f32 to vector<16xf32>
        %select_n3A_276 = arith.select %ge3A_251, %mul3A_273, %broadcast_in_dim3A_275 : vector<16xi1>, vector<16xf32>
        %swap3A_277 = arith.index_cast %mul3A_244 : i32 to index
        %swap3A_278 = tpu.vector_load %arg4[%swap3A_277] {strides = array<i32>} : memref<2048xf32, #tpu.memory_space<vmem>>, vector<16xf32>,
        %swap3A_279 = vector.shape_cast %swap3A_278 : vector<16xf32> to vector<16xf32>
        %swap3A_280 = vector.shape_cast %select_n3A_276 : vector<16xf32> to vector<16xf32>
        tpu.vector_store %arg4[%swap3A_277], %swap3A_280 {strides = array<i32>} : memref<2048xf32, #tpu.memory_space<vmem>>, vector<16xf32>,
        %mul3A_281 = arith.constant 8 : i32
        %mul3A_282 = arith.muli %scan3A_118, %mul3A_281 : i32
        %add3A_283 = arith.constant 4 : i32
        %add3A_284 = arith.addi %mul3A_282, %add3A_283 : i32
        %mul3A_285 = arith.constant 16 : i32
        %mul3A_286 = arith.muli %add3A_284, %mul3A_285 : i32
        %get3A_287 = arith.index_cast %mul3A_286 : i32 to index
        %get3A_288 = tpu.vector_load %arg4[%get3A_287] {strides = array<i32>} : memref<2048xf32, #tpu.memory_space<vmem>>, vector<16xf32>,
        %get3A_289 = vector.shape_cast %get3A_288 : vector<16xf32> to vector<16xf32>
        %get3A_290 = arith.index_cast %mul3A_286 : i32 to index
        %get3A_291 = tpu.vector_load %arg5[%get3A_290] {strides = array<i32>} : memref<2048xi32, #tpu.memory_space<vmem>>, vector<16xi32>,
        %get3A_292 = vector.shape_cast %get3A_291 : vector<16xi32> to vector<16xi32>
        %ge3A_293 = arith.cmpi sge, %get3A_292, %scan3A_102#0 : vector<16xi32>
        %mul3A_294 = arith.mulf %get3A_289, %div3A_106 : vector<16xf32>
        %abs3A_295 = math.absf %mul3A_294 : vector<16xf32>
        %add3A_296 = arith.constant 5.000000e-01 : f32
        %add3A_297 = vector.broadcast %add3A_296 : f32 to vector<16xf32>
        %add3A_298 = arith.addf %abs3A_295, %add3A_297 : vector<16xf32>
        %convert_element_type3A_299 = arith.fptosi %add3A_298 : vector<16xf32> to vector<16xi32>
        %convert_element_type3A_300 = arith.sitofp %convert_element_type3A_299 : vector<16xi32> to vector<16xf32>
        %sign3A_301 = tpu.bitcast %mul3A_294 : vector<16xf32> -> vector<16xi32>
        %sign3A_302 = arith.constant -2147483648 : i32
        %sign3A_303 = vector.broadcast %sign3A_302 : i32 to vector<16xi32>
        %sign3A_304 = arith.andi %sign3A_301, %sign3A_303 : vector<16xi32>
        %sign3A_305 = arith.constant 1065353216 : i32
        %sign3A_306 = vector.broadcast %sign3A_305 : i32 to vector<16xi32>
        %sign3A_307 = arith.ori %sign3A_306, %sign3A_304 : vector<16xi32>
        %sign3A_308 = tpu.bitcast %sign3A_307 : vector<16xi32> -> vector<16xf32>
        %sign3A_309 = math.absf %mul3A_294 : vector<16xf32>
        %sign3A_310 = arith.constant 0.000000e+00 : f32
        %sign3A_311 = vector.broadcast %sign3A_310 : f32 to vector<16xf32>
        %sign3A_312 = arith.cmpf ogt, %sign3A_309, %sign3A_311 : vector<16xf32>
        %sign3A_313 = arith.select %sign3A_312, %sign3A_308, %mul3A_294 : vector<16xi1>, vector<16xf32>
        %mul3A_314 = arith.mulf %convert_element_type3A_300, %sign3A_313 : vector<16xf32>
        %mul3A_315 = arith.mulf %mul3A_314, %mul3A_109 : vector<16xf32>
        %jit3A_316 = arith.constant 0.000000e+00 : f32
        %broadcast_in_dim3A_317 = vector.broadcast %jit3A_316 : f32 to vector<16xf32>
        %select_n3A_318 = arith.select %ge3A_293, %mul3A_315, %broadcast_in_dim3A_317 : vector<16xi1>, vector<16xf32>
        %swap3A_319 = arith.index_cast %mul3A_286 : i32 to index
        %swap3A_320 = tpu.vector_load %arg4[%swap3A_319] {strides = array<i32>} : memref<2048xf32, #tpu.memory_space<vmem>>, vector<16xf32>,
        %swap3A_321 = vector.shape_cast %swap3A_320 : vector<16xf32> to vector<16xf32>
        %swap3A_322 = vector.shape_cast %select_n3A_318 : vector<16xf32> to vector<16xf32>
        tpu.vector_store %arg4[%swap3A_319], %swap3A_322 {strides = array<i32>} : memref<2048xf32, #tpu.memory_space<vmem>>, vector<16xf32>,
        %mul3A_323 = arith.constant 8 : i32
        %mul3A_324 = arith.muli %scan3A_118, %mul3A_323 : i32
        %add3A_325 = arith.constant 5 : i32
        %add3A_326 = arith.addi %mul3A_324, %add3A_325 : i32
        %mul3A_327 = arith.constant 16 : i32
        %mul3A_328 = arith.muli %add3A_326, %mul3A_327 : i32
        %get3A_329 = arith.index_cast %mul3A_328 : i32 to index
        %get3A_330 = tpu.vector_load %arg4[%get3A_329] {strides = array<i32>} : memref<2048xf32, #tpu.memory_space<vmem>>, vector<16xf32>,
        %get3A_331 = vector.shape_cast %get3A_330 : vector<16xf32> to vector<16xf32>
        %get3A_332 = arith.index_cast %mul3A_328 : i32 to index
        %get3A_333 = tpu.vector_load %arg5[%get3A_332] {strides = array<i32>} : memref<2048xi32, #tpu.memory_space<vmem>>, vector<16xi32>,
        %get3A_334 = vector.shape_cast %get3A_333 : vector<16xi32> to vector<16xi32>
        %ge3A_335 = arith.cmpi sge, %get3A_334, %scan3A_102#0 : vector<16xi32>
        %mul3A_336 = arith.mulf %get3A_331, %div3A_106 : vector<16xf32>
        %abs3A_337 = math.absf %mul3A_336 : vector<16xf32>
        %add3A_338 = arith.constant 5.000000e-01 : f32
        %add3A_339 = vector.broadcast %add3A_338 : f32 to vector<16xf32>
        %add3A_340 = arith.addf %abs3A_337, %add3A_339 : vector<16xf32>
        %convert_element_type3A_341 = arith.fptosi %add3A_340 : vector<16xf32> to vector<16xi32>
        %convert_element_type3A_342 = arith.sitofp %convert_element_type3A_341 : vector<16xi32> to vector<16xf32>
        %sign3A_343 = tpu.bitcast %mul3A_336 : vector<16xf32> -> vector<16xi32>
        %sign3A_344 = arith.constant -2147483648 : i32
        %sign3A_345 = vector.broadcast %sign3A_344 : i32 to vector<16xi32>
        %sign3A_346 = arith.andi %sign3A_343, %sign3A_345 : vector<16xi32>
        %sign3A_347 = arith.constant 1065353216 : i32
        %sign3A_348 = vector.broadcast %sign3A_347 : i32 to vector<16xi32>
        %sign3A_349 = arith.ori %sign3A_348, %sign3A_346 : vector<16xi32>
        %sign3A_350 = tpu.bitcast %sign3A_349 : vector<16xi32> -> vector<16xf32>
        %sign3A_351 = math.absf %mul3A_336 : vector<16xf32>
        %sign3A_352 = arith.constant 0.000000e+00 : f32
        %sign3A_353 = vector.broadcast %sign3A_352 : f32 to vector<16xf32>
        %sign3A_354 = arith.cmpf ogt, %sign3A_351, %sign3A_353 : vector<16xf32>
        %sign3A_355 = arith.select %sign3A_354, %sign3A_350, %mul3A_336 : vector<16xi1>, vector<16xf32>
        %mul3A_356 = arith.mulf %convert_element_type3A_342, %sign3A_355 : vector<16xf32>
        %mul3A_357 = arith.mulf %mul3A_356, %mul3A_109 : vector<16xf32>
        %jit3A_358 = arith.constant 0.000000e+00 : f32
        %broadcast_in_dim3A_359 = vector.broadcast %jit3A_358 : f32 to vector<16xf32>
        %select_n3A_360 = arith.select %ge3A_335, %mul3A_357, %broadcast_in_dim3A_359 : vector<16xi1>, vector<16xf32>
        %swap3A_361 = arith.index_cast %mul3A_328 : i32 to index
        %swap3A_362 = tpu.vector_load %arg4[%swap3A_361] {strides = array<i32>} : memref<2048xf32, #tpu.memory_space<vmem>>, vector<16xf32>,
        %swap3A_363 = vector.shape_cast %swap3A_362 : vector<16xf32> to vector<16xf32>
        %swap3A_364 = vector.shape_cast %select_n3A_360 : vector<16xf32> to vector<16xf32>
        tpu.vector_store %arg4[%swap3A_361], %swap3A_364 {strides = array<i32>} : memref<2048xf32, #tpu.memory_space<vmem>>, vector<16xf32>,
        %mul3A_365 = arith.constant 8 : i32
        %mul3A_366 = arith.muli %scan3A_118, %mul3A_365 : i32
        %add3A_367 = arith.constant 6 : i32
        %add3A_368 = arith.addi %mul3A_366, %add3A_367 : i32
        %mul3A_369 = arith.constant 16 : i32
        %mul3A_370 = arith.muli %add3A_368, %mul3A_369 : i32
        %get3A_371 = arith.index_cast %mul3A_370 : i32 to index
        %get3A_372 = tpu.vector_load %arg4[%get3A_371] {strides = array<i32>} : memref<2048xf32, #tpu.memory_space<vmem>>, vector<16xf32>,
        %get3A_373 = vector.shape_cast %get3A_372 : vector<16xf32> to vector<16xf32>
        %get3A_374 = arith.index_cast %mul3A_370 : i32 to index
        %get3A_375 = tpu.vector_load %arg5[%get3A_374] {strides = array<i32>} : memref<2048xi32, #tpu.memory_space<vmem>>, vector<16xi32>,
        %get3A_376 = vector.shape_cast %get3A_375 : vector<16xi32> to vector<16xi32>
        %ge3A_377 = arith.cmpi sge, %get3A_376, %scan3A_102#0 : vector<16xi32>
        %mul3A_378 = arith.mulf %get3A_373, %div3A_106 : vector<16xf32>
        %abs3A_379 = math.absf %mul3A_378 : vector<16xf32>
        %add3A_380 = arith.constant 5.000000e-01 : f32
        %add3A_381 = vector.broadcast %add3A_380 : f32 to vector<16xf32>
        %add3A_382 = arith.addf %abs3A_379, %add3A_381 : vector<16xf32>
        %convert_element_type3A_383 = arith.fptosi %add3A_382 : vector<16xf32> to vector<16xi32>
        %convert_element_type3A_384 = arith.sitofp %convert_element_type3A_383 : vector<16xi32> to vector<16xf32>
        %sign3A_385 = tpu.bitcast %mul3A_378 : vector<16xf32> -> vector<16xi32>
        %sign3A_386 = arith.constant -2147483648 : i32
        %sign3A_387 = vector.broadcast %sign3A_386 : i32 to vector<16xi32>
        %sign3A_388 = arith.andi %sign3A_385, %sign3A_387 : vector<16xi32>
        %sign3A_389 = arith.constant 1065353216 : i32
        %sign3A_390 = vector.broadcast %sign3A_389 : i32 to vector<16xi32>
        %sign3A_391 = arith.ori %sign3A_390, %sign3A_388 : vector<16xi32>
        %sign3A_392 = tpu.bitcast %sign3A_391 : vector<16xi32> -> vector<16xf32>
        %sign3A_393 = math.absf %mul3A_378 : vector<16xf32>
        %sign3A_394 = arith.constant 0.000000e+00 : f32
        %sign3A_395 = vector.broadcast %sign3A_394 : f32 to vector<16xf32>
        %sign3A_396 = arith.cmpf ogt, %sign3A_393, %sign3A_395 : vector<16xf32>
        %sign3A_397 = arith.select %sign3A_396, %sign3A_392, %mul3A_378 : vector<16xi1>, vector<16xf32>
        %mul3A_398 = arith.mulf %convert_element_type3A_384, %sign3A_397 : vector<16xf32>
        %mul3A_399 = arith.mulf %mul3A_398, %mul3A_109 : vector<16xf32>
        %jit3A_400 = arith.constant 0.000000e+00 : f32
        %broadcast_in_dim3A_401 = vector.broadcast %jit3A_400 : f32 to vector<16xf32>
        %select_n3A_402 = arith.select %ge3A_377, %mul3A_399, %broadcast_in_dim3A_401 : vector<16xi1>, vector<16xf32>
        %swap3A_403 = arith.index_cast %mul3A_370 : i32 to index
        %swap3A_404 = tpu.vector_load %arg4[%swap3A_403] {strides = array<i32>} : memref<2048xf32, #tpu.memory_space<vmem>>, vector<16xf32>,
        %swap3A_405 = vector.shape_cast %swap3A_404 : vector<16xf32> to vector<16xf32>
        %swap3A_406 = vector.shape_cast %select_n3A_402 : vector<16xf32> to vector<16xf32>
        tpu.vector_store %arg4[%swap3A_403], %swap3A_406 {strides = array<i32>} : memref<2048xf32, #tpu.memory_space<vmem>>, vector<16xf32>,
        %mul3A_407 = arith.constant 8 : i32
        %mul3A_408 = arith.muli %scan3A_118, %mul3A_407 : i32
        %add3A_409 = arith.constant 7 : i32
        %add3A_410 = arith.addi %mul3A_408, %add3A_409 : i32
        %mul3A_411 = arith.constant 16 : i32
        %mul3A_412 = arith.muli %add3A_410, %mul3A_411 : i32
        %get3A_413 = arith.index_cast %mul3A_412 : i32 to index
        %get3A_414 = tpu.vector_load %arg4[%get3A_413] {strides = array<i32>} : memref<2048xf32, #tpu.memory_space<vmem>>, vector<16xf32>,
        %get3A_415 = vector.shape_cast %get3A_414 : vector<16xf32> to vector<16xf32>
        %get3A_416 = arith.index_cast %mul3A_412 : i32 to index
        %get3A_417 = tpu.vector_load %arg5[%get3A_416] {strides = array<i32>} : memref<2048xi32, #tpu.memory_space<vmem>>, vector<16xi32>,
        %get3A_418 = vector.shape_cast %get3A_417 : vector<16xi32> to vector<16xi32>
        %ge3A_419 = arith.cmpi sge, %get3A_418, %scan3A_102#0 : vector<16xi32>
        %mul3A_420 = arith.mulf %get3A_415, %div3A_106 : vector<16xf32>
        %abs3A_421 = math.absf %mul3A_420 : vector<16xf32>
        %add3A_422 = arith.constant 5.000000e-01 : f32
        %add3A_423 = vector.broadcast %add3A_422 : f32 to vector<16xf32>
        %add3A_424 = arith.addf %abs3A_421, %add3A_423 : vector<16xf32>
        %convert_element_type3A_425 = arith.fptosi %add3A_424 : vector<16xf32> to vector<16xi32>
        %convert_element_type3A_426 = arith.sitofp %convert_element_type3A_425 : vector<16xi32> to vector<16xf32>
        %sign3A_427 = tpu.bitcast %mul3A_420 : vector<16xf32> -> vector<16xi32>
        %sign3A_428 = arith.constant -2147483648 : i32
        %sign3A_429 = vector.broadcast %sign3A_428 : i32 to vector<16xi32>
        %sign3A_430 = arith.andi %sign3A_427, %sign3A_429 : vector<16xi32>
        %sign3A_431 = arith.constant 1065353216 : i32
        %sign3A_432 = vector.broadcast %sign3A_431 : i32 to vector<16xi32>
        %sign3A_433 = arith.ori %sign3A_432, %sign3A_430 : vector<16xi32>
        %sign3A_434 = tpu.bitcast %sign3A_433 : vector<16xi32> -> vector<16xf32>
        %sign3A_435 = math.absf %mul3A_420 : vector<16xf32>
        %sign3A_436 = arith.constant 0.000000e+00 : f32
        %sign3A_437 = vector.broadcast %sign3A_436 : f32 to vector<16xf32>
        %sign3A_438 = arith.cmpf ogt, %sign3A_435, %sign3A_437 : vector<16xf32>
        %sign3A_439 = arith.select %sign3A_438, %sign3A_434, %mul3A_420 : vector<16xi1>, vector<16xf32>
        %mul3A_440 = arith.mulf %convert_element_type3A_426, %sign3A_439 : vector<16xf32>
        %mul3A_441 = arith.mulf %mul3A_440, %mul3A_109 : vector<16xf32>
        %jit3A_442 = arith.constant 0.000000e+00 : f32
        %broadcast_in_dim3A_443 = vector.broadcast %jit3A_442 : f32 to vector<16xf32>
        %select_n3A_444 = arith.select %ge3A_419, %mul3A_441, %broadcast_in_dim3A_443 : vector<16xi1>, vector<16xf32>
        %swap3A_445 = arith.index_cast %mul3A_412 : i32 to index
        %swap3A_446 = tpu.vector_load %arg4[%swap3A_445] {strides = array<i32>} : memref<2048xf32, #tpu.memory_space<vmem>>, vector<16xf32>,
        %swap3A_447 = vector.shape_cast %swap3A_446 : vector<16xf32> to vector<16xf32>
        %swap3A_448 = vector.shape_cast %select_n3A_444 : vector<16xf32> to vector<16xf32>
        tpu.vector_store %arg4[%swap3A_445], %swap3A_448 {strides = array<i32>} : memref<2048xf32, #tpu.memory_space<vmem>>, vector<16xf32>,
        %scan3A_449 = arith.constant 0 : i32
        scf.yield %scan3A_449 : i32
      }
      %scan3A_116 = arith.constant 16 : i32
      "tpu.region"() ({
        %run_scoped3A = tpu.sem_alloc : memref<!tpu.dma_semaphore, #tpu.memory_space<semaphore_mem>>
        %dma_start3A = arith.constant 0 : i32
        %dma_start3A_118 = tpu.memref_slice %arg3[%add3A_11, %dma_start3A] : memref<2048x2048xf32, #tpu.memory_space<hbm>> -> memref<1x2048xf32, #tpu.memory_space<hbm>>
        %dma_start3A_119 = tpu.memref_squeeze %dma_start3A_118 : memref<1x2048xf32, #tpu.memory_space<hbm>> -> memref<2048xf32, #tpu.memory_space<hbm>>
        %dma_start3A_120 = arith.constant 0 : i32
        %dma_start3A_121 = tpu.memref_slice %arg3[%add3A_11, %dma_start3A_120] : memref<2048x2048xf32, #tpu.memory_space<hbm>> -> memref<1x2048xf32, #tpu.memory_space<hbm>>
        %dma_start3A_122 = tpu.memref_squeeze %dma_start3A_121 : memref<1x2048xf32, #tpu.memory_space<hbm>> -> memref<2048xf32, #tpu.memory_space<hbm>>
        tpu.enqueue_dma source(%arg4 : memref<2048xf32, #tpu.memory_space<vmem>>) target(%dma_start3A_122 : memref<2048xf32, #tpu.memory_space<hbm>>) target_semaphore(%run_scoped3A : memref<!tpu.dma_semaphore, #tpu.memory_space<semaphore_mem>>)
        %dma_wait3A = arith.constant 0 : i32
        %dma_wait3A_123 = tpu.memref_slice %arg3[%add3A_11, %dma_wait3A] : memref<2048x2048xf32, #tpu.memory_space<hbm>> -> memref<1x2048xf32, #tpu.memory_space<hbm>>
        %dma_wait3A_124 = tpu.memref_squeeze %dma_wait3A_123 : memref<1x2048xf32, #tpu.memory_space<hbm>> -> memref<2048xf32, #tpu.memory_space<hbm>>
        %dma_wait3A_125 = arith.constant 0 : i32
        %dma_wait3A_126 = tpu.memref_slice %arg3[%add3A_11, %dma_wait3A_125] : memref<2048x2048xf32, #tpu.memory_space<hbm>> -> memref<1x2048xf32, #tpu.memory_space<hbm>>
        %dma_wait3A_127 = tpu.memref_squeeze %dma_wait3A_126 : memref<1x2048xf32, #tpu.memory_space<hbm>> -> memref<2048xf32, #tpu.memory_space<hbm>>
        tpu.wait_dma2 semaphore(%run_scoped3A : memref<!tpu.dma_semaphore, #tpu.memory_space<semaphore_mem>>) src(%arg4 : memref<2048xf32, #tpu.memory_space<vmem>>) dst(%dma_wait3A_127 : memref<2048xf32, #tpu.memory_space<hbm>>)
        tpu.yield
      }) : () -> ()
      %scan3A_117 = arith.constant 0 : i32
      scf.yield %scan3A_117 : i32
    }
    %scan3A_8 = arith.constant 64 : i32
    return
  }
}

module attributes {stable_mosaic.version = 14 : i64} {
  func.func @_quant_kernel(%arg0: i32, %arg1: memref<256x2048xf32, #tpu.memory_space<vmem>>, %arg2: memref<256x2048xf32, #tpu.memory_space<vmem>>) attributes {dimension_semantics = [#tpu.dimension_semantics<arbitrary>], iteration_bounds = array<i64: 120>, scalar_prefetch = 0 : i64, scratch_operands = 0 : i64, tpu.core_type = #tpu.core_type<tc>, window_params = [{transform_indices = @transform_0, window_bounds = array<i64: 256, 2048>}, {transform_indices = @transform_1, window_bounds = array<i64: 256, 2048>}]} {
    %get3A = arith.constant 0 : index
    %get3A_0 = arith.constant 0 : index
    %get3A_1 = vector.load %arg1[%get3A, %get3A_0] : memref<256x2048xf32, #tpu.memory_space<vmem>>, vector<256x2048xf32>
    %abs3A = math.absf %get3A_1 : vector<256x2048xf32>
    %reduce_max3A = arith.constant dense<0xFF800000> : vector<256xf32>
    %reduce_max3A_2 = vector.multi_reduction <maximumf>, %abs3A, %reduce_max3A [1] : vector<256x2048xf32> to vector<256xf32>
    %broadcast_in_dim3A = vector.shape_cast %reduce_max3A_2 : vector<256xf32> to vector<256x1xf32>
    %jit3A = arith.constant 9.99999993E-9 : f32
    %max3A = vector.broadcast %jit3A : f32 to vector<256x1xf32>
    %max3A_3 = arith.maximumf %max3A, %broadcast_in_dim3A : vector<256x1xf32>
    %div3A = arith.constant 0.999999046 : f32
    %div3A_4 = vector.broadcast %div3A : f32 to vector<256x1xf32>
    %div3A_5 = arith.divf %div3A_4, %max3A_3 : vector<256x1xf32>
    %mul3A = vector.broadcast %div3A_5 : vector<256x1xf32> to vector<256x2048xf32>
    %mul3A_6 = arith.mulf %abs3A, %mul3A : vector<256x2048xf32>
    %add3A = arith.constant 1.000000e+00 : f32
    %add3A_7 = vector.broadcast %add3A : f32 to vector<256x2048xf32>
    %add3A_8 = arith.addf %mul3A_6, %add3A_7 : vector<256x2048xf32>
    %bitcast_convert_type3A = tpu.bitcast %add3A_8 : vector<256x2048xf32> -> vector<256x2048xi32>
    %shift_right_arithmetic3A = arith.constant 8 : i32
    %shift_right_arithmetic3A_9 = vector.broadcast %shift_right_arithmetic3A : i32 to vector<256x2048xi32>
    %shift_right_arithmetic3A_10 = arith.shrsi %bitcast_convert_type3A, %shift_right_arithmetic3A_9 : vector<256x2048xi32>
    %convert_element_type3A = arith.trunci %shift_right_arithmetic3A_10 : vector<256x2048xi32> to vector<256x2048xi16>
    %broadcast_in_dim3A_11 = arith.constant -32768 : i32
    %broadcast_in_dim3A_12 = vector.broadcast %broadcast_in_dim3A_11 : i32 to vector<256x1xi32>
    %broadcast_in_dim3A_13 = arith.constant 0 : i32
    %broadcast_in_dim3A_14 = vector.broadcast %broadcast_in_dim3A_13 : i32 to vector<256x1xi32>
    %scan3A = arith.constant 0 : i32
    %scan3A_15 = arith.constant 15 : i32
    %scan3A_16 = arith.addi %scan3A, %scan3A_15 : i32
    %scan3A_17 = arith.constant 1 : i32
    %scan3A_18:2 = scf.for %scan3A_35 = %scan3A to %scan3A_16 step %scan3A_17 iter_args(%scan3A_36 = %broadcast_in_dim3A_12, %scan3A_37 = %broadcast_in_dim3A_14) -> (vector<256x1xi32>, vector<256x1xi32>)  : i32 {
      %add3A_38 = arith.addi %scan3A_36, %scan3A_37 : vector<256x1xi32>
      %shift_right_arithmetic3A_39 = arith.constant 1 : i32
      %shift_right_arithmetic3A_40 = vector.broadcast %shift_right_arithmetic3A_39 : i32 to vector<256x1xi32>
      %shift_right_arithmetic3A_41 = arith.shrsi %add3A_38, %shift_right_arithmetic3A_40 : vector<256x1xi32>
      %convert_element_type3A_42 = arith.trunci %shift_right_arithmetic3A_41 : vector<256x1xi32> to vector<256x1xi16>
      %ge3A_43 = vector.broadcast %convert_element_type3A_42 : vector<256x1xi16> to vector<256x2048xi16>
      %ge3A_44 = arith.cmpi sge, %convert_element_type3A, %ge3A_43 : vector<256x2048xi16>
      %convert_element_type3A_45 = arith.extui %ge3A_44 : vector<256x2048xi1> to vector<256x2048xi16>
      %slice3A = vector.extract_strided_slice %convert_element_type3A_45 {offsets = [0, 0], sizes = [256, 1024], strides = [1, 1]} : vector<256x2048xi16> to vector<256x1024xi16>
      %slice3A_46 = vector.extract_strided_slice %convert_element_type3A_45 {offsets = [0, 1024], sizes = [256, 1024], strides = [1, 1]} : vector<256x2048xi16> to vector<256x1024xi16>
      %add3A_47 = arith.addi %slice3A, %slice3A_46 : vector<256x1024xi16>
      %slice3A_48 = vector.extract_strided_slice %add3A_47 {offsets = [0, 0], sizes = [256, 512], strides = [1, 1]} : vector<256x1024xi16> to vector<256x512xi16>
      %slice3A_49 = vector.extract_strided_slice %add3A_47 {offsets = [0, 512], sizes = [256, 512], strides = [1, 1]} : vector<256x1024xi16> to vector<256x512xi16>
      %add3A_50 = arith.addi %slice3A_48, %slice3A_49 : vector<256x512xi16>
      %slice3A_51 = vector.extract_strided_slice %add3A_50 {offsets = [0, 0], sizes = [256, 256], strides = [1, 1]} : vector<256x512xi16> to vector<256x256xi16>
      %slice3A_52 = vector.extract_strided_slice %add3A_50 {offsets = [0, 256], sizes = [256, 256], strides = [1, 1]} : vector<256x512xi16> to vector<256x256xi16>
      %add3A_53 = arith.addi %slice3A_51, %slice3A_52 : vector<256x256xi16>
      %slice3A_54 = vector.extract_strided_slice %add3A_53 {offsets = [0, 0], sizes = [256, 128], strides = [1, 1]} : vector<256x256xi16> to vector<256x128xi16>
      %slice3A_55 = vector.extract_strided_slice %add3A_53 {offsets = [0, 128], sizes = [256, 128], strides = [1, 1]} : vector<256x256xi16> to vector<256x128xi16>
      %add3A_56 = arith.addi %slice3A_54, %slice3A_55 : vector<256x128xi16>
      %convert_element_type3A_57 = arith.extsi %add3A_56 : vector<256x128xi16> to vector<256x128xi32>
      %reduce_sum3A = arith.constant dense<0> : vector<256xi32>
      %reduce_sum3A_58 = vector.multi_reduction <add>, %convert_element_type3A_57, %reduce_sum3A [1] : vector<256x128xi32> to vector<256xi32>
      %broadcast_in_dim3A_59 = vector.shape_cast %reduce_sum3A_58 : vector<256xi32> to vector<256x1xi32>
      %ge3A_60 = arith.constant 1126 : i32
      %ge3A_61 = vector.broadcast %ge3A_60 : i32 to vector<256x1xi32>
      %ge3A_62 = arith.cmpi sge, %broadcast_in_dim3A_59, %ge3A_61 : vector<256x1xi32>
      %select_n3A_63 = arith.select %ge3A_62, %shift_right_arithmetic3A_41, %scan3A_36 : vector<256x1xi1>, vector<256x1xi32>
      %select_n3A_64 = arith.select %ge3A_62, %scan3A_37, %shift_right_arithmetic3A_41 : vector<256x1xi1>, vector<256x1xi32>
      scf.yield %select_n3A_63, %select_n3A_64 : vector<256x1xi32>, vector<256x1xi32>
    }
    %convert_element_type3A_19 = arith.trunci %scan3A_18#0 : vector<256x1xi32> to vector<256x1xi16>
    %ge3A = vector.broadcast %convert_element_type3A_19 : vector<256x1xi16> to vector<256x2048xi16>
    %ge3A_20 = arith.cmpi sge, %convert_element_type3A, %ge3A : vector<256x2048xi16>
    %div3A_21 = arith.constant 1.270000e+02 : f32
    %div3A_22 = vector.broadcast %div3A_21 : f32 to vector<256x1xf32>
    %div3A_23 = arith.divf %div3A_22, %max3A_3 : vector<256x1xf32>
    %mul3A_24 = arith.constant 0.00787401571 : f32
    %mul3A_25 = vector.broadcast %mul3A_24 : f32 to vector<256x1xf32>
    %mul3A_26 = arith.mulf %max3A_3, %mul3A_25 : vector<256x1xf32>
    %jit3A_27 = arith.constant 0.000000e+00 : f32
    %broadcast_in_dim3A_28 = vector.broadcast %jit3A_27 : f32 to vector<256x2048xf32>
    %select_n3A = arith.select %ge3A_20, %get3A_1, %broadcast_in_dim3A_28 : vector<256x2048xi1>, vector<256x2048xf32>
    %mul3A_29 = vector.broadcast %div3A_23 : vector<256x1xf32> to vector<256x2048xf32>
    %mul3A_30 = arith.mulf %select_n3A, %mul3A_29 : vector<256x2048xf32>
    %round3A = math.roundeven %mul3A_30 : vector<256x2048xf32>
    %mul3A_31 = vector.broadcast %mul3A_26 : vector<256x1xf32> to vector<256x2048xf32>
    %mul3A_32 = arith.mulf %round3A, %mul3A_31 : vector<256x2048xf32>
    %swap3A = arith.constant 0 : index
    %swap3A_33 = arith.constant 0 : index
    %swap3A_34 = vector.load %arg2[%swap3A, %swap3A_33] : memref<256x2048xf32, #tpu.memory_space<vmem>>, vector<256x2048xf32>
    tpu.vector_store %arg2[%swap3A, %swap3A_33], %mul3A_32 {strides = array<i32>} : memref<256x2048xf32, #tpu.memory_space<vmem>>, vector<256x2048xf32>,
    return
  }
  func.func @transform_0(%arg0: i32) -> (i32, i32) {
    %c0_i32 = arith.constant 0 : i32
    %c0_i32_0 = arith.constant 0 : i32
    return %arg0, %c0_i32 : i32, i32
  }
  func.func @transform_1(%arg0: i32) -> (i32, i32) {
    %c0_i32 = arith.constant 0 : i32
    %c0_i32_0 = arith.constant 0 : i32
    return %arg0, %c0_i32 : i32, i32
  }
}

</mosaic_0001>

<sc_bundles>
// kernel: kernel.4.cloned.1.call-start
scs
__scs_entry_jumppad:
0x0: {  	(pc) =	sbr.rel $0x88, $3  }
0x1: {  	(tag) =	ssettag $0x0;
	lr =	simm.s32 $0x1  }
0x2: {  	[smem:$0x3FA0] =	sst lr;
	_ =	strace $0xD0000000  }
0x3: {  	_ = 	snop  }
0x4: {  	_ = 	snop  }
0x5: {  	_ = 	snop  }
0x6: {  	_ = 	snop  }
0x7: {  	_ = 	snop  }
__scs_overlays_trampoline_lowered:
0x8: {  	[smem:$0x3FAF] =	sst s0  }
0x9: {  	[smem:$0x3FB0] =	sst s1  }
0xa: {  	[smem:$0x3FB1] =	sst s2  }
0xb: {  	[smem:$0x3FB2] =	sst s3  }
0xc: {  	[smem:$0x3FB3] =	sst s4  }
0xd: {  	[smem:$0x3FB4] =	sst s5  }
0xe: {  	[smem:$0x3FB5] =	sst s6  }
0xf: {  	[smem:$0x3FB6] =	sst s7  }
0x10: {  	[smem:$0x3FB7] =	sst s8  }
0x11: {  	[smem:$0x3FB8] =	sst s9;
	s0 =	simm.s32 @!p0 $0x0  }
0x12: {  	s1 =	sld [smem:$0x3F9E];
	s0 =	simm.s32 @p0 $0x1  }
0x13: {  	[smem:$0x3FB9] =	sst s0;
	s0 =	simm.s32 @!p1 $0x0  }
0x14: {  	s2 =	sld [smem:$0x3F9D];
	s0 =	simm.s32 @p1 $0x1  }
0x15: {  	[smem:$0x3FBA] =	sst s0;
	s0 =	simm.s32 @!p2 $0x0  }
0x16: {  	s3 =	sld [smem:$0x3FDB];
	s0 =	simm.s32 @p2 $0x1  }
0x17: {  	s4 =	simm.s32 $0x1BF5;
	[smem:$0x3FBC] =	sst s0  }
0x18: {  	s0 =	sld [smem:$0x3F9F];
	_ =	swait.ge [sflag:s4], $0x0  }
0x19: {  	s7 =	sld [smem:$0x3FA0]  }
0x1a: {  	s8 =	sadd.s32 $0xFFFFE003, lr  }
0x1b: {  	s9 =	sadd.s32 $0xFFFFFEF7, lr;
	s5 =	simm.s32 $0xFFFFFFFF;
	p2 =	slt.u32 s8, $0xFFFFF086  }
0x1c: {  	p1 =	slt.u32 s9, $0xF7A;
	s5 =	simm.s32 @!p2 $0x0  }
0x1d: {  	s5 =	simm.s32 @p1 $0x1;
	p0 =	seq.s32 s7, s2  }
0x1e: {  	s7 =	smul.u32 @!p0 $0xF7A, s2;
	p2 =	seq.s32 @!p0 s5, $0x0  }
0x1f: {  	s9 =	smul.u32 $0xF7A, s1;
	s8 =	simm.s32 @!p0 $0x1BF5;
	p2 =	por !p2, p0  }
0x20: {  	[sflag:s8] =	ssyncset.s32 @!p0 $0xFFFFF086;
	s6 =	sadd.s32 @!p0 s3, s7;
	s7 =	simm.s32 @!p0 $0x108  }
0x21: {  	s3 =	sadd.s32 s3, s9;
	s6 =	sadd.s32 @!p0 $0x88, s6;
	s7 =	simm.s32 @p2 $0x1082  }
0x22: {  	[simem:s7], [sflag:s8] =	dma.local @!p0 [hbm:s6], $0xF7A  }
0x23: {  	s9 =	sor.u32 $0xD0000000, s2;
	s6 =	simm.s32 $0x108;
	_ =	swait.ge @!p0 [sflag:s8], $0x0  }
0x24: {  	s3 =	sadd.s32 $0x88, s3;
	s6 =	simm.s32 @!p1 $0x1082;
	[sflag:s4] =	ssyncset.s32 $0xFFFFF086  }
0x25: {  	[simem:s6], [sflag:s4] =	dma.local [hbm:s3], $0xF7A  }
0x26: {  	[smem:$0x3FA0] =	sst s1;
	(tag) =	ssettag s2;
	_ =	strace s9  }
0x27: {  	s1 =	sld [smem:$0x3FB0]  }
0x28: {  	s2 =	sld [smem:$0x3FB1]  }
0x29: {  	s4 =	sld [smem:$0x3FB3]  }
0x2a: {  	p0 =	seq.s32 s5, $0x0;
	s5 =	sld [smem:$0x3FB4]  }
0x2b: {  	s6 =	sld [smem:$0x3FB5]  }
0x2c: {  	s7 =	sld [smem:$0x3FB6]  }
0x2d: {  	s3 =	simm.s32 $0x108;
	s8 =	sld [smem:$0x3FB7]  }
0x2e: {  	s3 =	simm.s32 @!p0 $0x1082;
	s9 =	sld [smem:$0x3FB8]  }
0x2f: {  	lr =	sadd.s32 s0, s3;
	s0 =	sld [smem:$0x3FAF]  }
0x30: {  	s3 =	sld [smem:$0x3FB2]  }
0x31: {  	[smem:$0x3FBB] =	sst s10  }
0x32: {  	s10 =	sld [smem:$0x3FB9];
	_ =	sdelay $0x3  }
0x33: {  	p0 =	seq.s32 s10, $0x1;
	s10 =	sld [smem:$0x3FBB];
	_ =	sdelay $0x3  }
0x34: {  	[smem:$0x3FBB] =	sst s10  }
0x35: {  	s10 =	sld [smem:$0x3FBA];
	_ =	sdelay $0x3  }
0x36: {  	p1 =	seq.s32 s10, $0x1;
	s10 =	sld [smem:$0x3FBB];
	_ =	sdelay $0x3  }
0x37: {  	[smem:$0x3FBB] =	sst s10  }
0x38: {  	s10 =	sld [smem:$0x3FBC]  }
0x39: {  	_ = 	snop;
	(pc) =	sbr.ind lr, $3  }
0x3a: {  	_ = 	snop  }
0x3b: {  	_ = 	snop  }
0x3c: {  	p2 =	seq.s32 s10, $0x1;
	s10 =	sld [smem:$0x3FBB]  }
0x3d: {  	_ =	shalt  }
0x3e: {  	_ =	shalt  }
0x3f: {  	_ =	shalt  }
0x40: {  	_ =	shalt  }
0x41: {  	_ =	shalt  }
0x42: {  	_ =	shalt  }
0x43: {  	_ =	shalt  }
0x44: {  	_ =	shalt  }
0x45: {  	_ =	shalt  }
0x46: {  	_ =	shalt  }
0x47: {  	_ =	shalt  }
0x48: {  	_ =	shalt  }
0x49: {  	_ =	shalt  }
0x4a: {  	_ =	shalt  }
0x4b: {  	_ =	shalt  }
0x4c: {  	_ =	shalt  }
0x4d: {  	_ =	shalt  }
0x4e: {  	_ =	shalt  }
0x4f: {  	_ =	shalt  }
0x50: {  	_ =	shalt  }
0x51: {  	_ =	shalt  }
0x52: {  	_ =	shalt  }
0x53: {  	_ =	shalt  }
0x54: {  	_ =	shalt  }
0x55: {  	_ =	shalt  }
0x56: {  	_ =	shalt  }
0x57: {  	_ =	shalt  }
0x58: {  	_ =	shalt  }
0x59: {  	_ =	shalt  }
0x5a: {  	_ =	shalt  }
0x5b: {  	_ =	shalt  }
0x5c: {  	_ =	shalt  }
0x5d: {  	_ =	shalt  }
0x5e: {  	_ =	shalt  }
0x5f: {  	_ =	shalt  }
0x60: {  	_ =	shalt  }
0x61: {  	_ =	shalt  }
0x62: {  	_ =	shalt  }
0x63: {  	_ =	shalt  }
0x64: {  	_ =	shalt  }
0x65: {  	_ =	shalt  }
0x66: {  	_ =	shalt  }
0x67: {  	_ =	shalt  }
0x68: {  	_ =	shalt  }
0x69: {  	_ =	shalt  }
0x6a: {  	_ =	shalt  }
0x6b: {  	_ =	shalt  }
0x6c: {  	_ =	shalt  }
0x6d: {  	_ =	shalt  }
0x6e: {  	_ =	shalt  }
0x6f: {  	_ =	shalt  }
0x70: {  	_ =	shalt  }
0x71: {  	_ =	shalt  }
0x72: {  	_ =	shalt  }
0x73: {  	_ =	shalt  }
0x74: {  	_ =	shalt  }
0x75: {  	_ =	shalt  }
0x76: {  	_ =	shalt  }
0x77: {  	_ =	shalt  }
0x78: {  	_ =	shalt  }
0x79: {  	_ =	shalt  }
0x7a: {  	_ =	shalt  }
0x7b: {  	_ =	shalt  }
0x7c: {  	_ =	shalt  }
0x7d: {  	_ =	shalt  }
0x7e: {  	_ =	shalt  }
0x7f: {  	_ =	shalt  }
0x80: {  	_ =	shalt  }
0x81: {  	_ =	shalt  }
0x82: {  	_ =	shalt  }
0x83: {  	_ =	shalt  }
0x84: {  	_ =	shalt  }
0x85: {  	_ =	shalt  }
0x86: {  	_ =	shalt  }
0x87: {  	_ =	shalt  }
.Lfunc_end0:
.L_simem_size_0:
called_computation_lowered:
.L_overlay_start_0:
0x88: {  	s2 =	sld [smem:$0x3FD9]  }
0x89: {  	s3 =	sld [smem:$0x3FFE];
	_ =	sdelay $0x1  }
0x8a: {  	s1 =	srdreg.scid  }
0x8b: {  	s0 =	sand.u32 $0x1, s1  }
0x8c: {  	s16 =	sshll.u32 s0, $0xA;
	s2 =	sadd.s32 s3, s2  }
0x8d: {  	s2 =	sadd.s32 s2, s16  }
0x8e: {  	[smem:$0x3FC7] =	sst s2  }
0x8f: {  	_ = 	snop  }
0x90: {  	(tm) =	ssettm $0x1  }
0x91: {  	s17 =	sld [smem:$0x3FFB];
	_ =	sdelay $0x3  }
0x92: {  	_ =	strace s17  }
0x93: {  	s2 =	sld [smem:$0x3FFC];
	_ =	sdelay $0x3  }
0x94: {  	_ =	strace s2  }
0x95: {  	s2 =	sld [smem:$0x3FFD];
	_ =	sdelay $0x3  }
0x96: {  	_ =	strace s2  }
0x97: {  	_ =	strace $0x8FFFFFFF  }
0x98: {  	s18 =	sld [smem:$0x3FDB];
	_ =	sdelay $0x1  }
0x99: {  	s19 =	simm.s32 $_scs_section_size  }
0x9a: {  	s4 =	simm.s32 $_size__tile_overlayer_lowered;
	s5 =	simm.s32 $_tile_overlayer_lowered  }
0x9b: {  	s22 =	simm.s32 $0x1BFF;
	s21 =	sshll.u32 s5, $0x1;
	s2 =	sadd.s32 s19, s18  }
0x9c: {  	s6 =	simm.s32 $0x0;
	s20 =	sshll.u32 s4, $0x1;
	s4 =	sadd.s32 s21, s2  }
0x9d: {  	[timem:s6], [sflag:s22] =	dma.local [hbm:s4], s20  }
0x9e: {  	_ =	swait.ge [sflag:s22], s20  }
0x9f: {  	s3 =	ssub.s32 $0x0, s20;
	[sflag:s22] =	ssyncset.done $0x0  }
0xa0: {  	[sflag:s22] =	ssyncadd.s32 s3;
	_ =	sdelay $0x1  }
0xa1: {  	s23 =	simm.s32 $0x1B8B  }
0xa2: {  	_ =	swait.ge [sflag:s23], $0x1  }
0xa3: {  	[sflag:s23] =	ssyncset.done $0x0  }
0xa4: {  	s25 =	simm.s32 $0x1B8E;
	s24 =	sld [smem:$0x3FFE];
	[sflag:s23] =	ssyncadd.s32 $0xFFFFFFFF  }
0xa5: {  	s26 =	simm.s32 $execute0_lowered;
	[smem:$0x3FD2] =	sst s25  }
0xa6: {  	s4 =	sshll.u32 s26, $0x1;
	_ =	strace $0x80000046;
	[dreg:$0x1] =	wrdreg $0xFFFFFFFF  }
0xa7: {  	s28 =	simm.s32 $_size_execute0_lowered;
	s2 =	sadd.s32 s2, s4;
	[dreg:$0x0] =	wrdreg $0x0  }
0xa8: {  	s4 =	sshll.u32 s28, $0x1;
	[dreg:$0x2] =	wrdreg s2  }
0xa9: {  	[dreg:$0x3] =	wrdreg s4  }
0xaa: {  	[dreg:$0x4] =	wrdreg $0xC0  }
0xab: {  	_ =	task [dreg:s6], $0x5FFFF  }
0xac: {  	[dreg:$0x1] =	wrdreg $0xFFFFFFFF  }
0xad: {  	[dreg:$0x0] =	wrdreg $0x60  }
0xae: {  	[dreg:$0x2] =	wrdreg s24  }
0xaf: {  	[dreg:$0x3] =	wrdreg $0x9  }
0xb0: {  	_ =	task.clear_ibuf [dreg:s6], $0x4FFFF;
	_ =	strace $0x90000046  }
0xb1: {  	s29 =	simm.s32 $0x9;
	_ =	strace $0x80000048  }
0xb2: {  	_ =	swait.ge [sflag:s29], $0x1  }
0xb3: {  	[sflag:s29] =	ssyncadd.s32 $0xFFFFFFFF  }
0xb4: {  	_ =	strace $0x90000048  }
0xb5: {  	_ =	sfence  }
0xb6: {  	s30 =	sld [smem:$0x0];
	_ =	sdelay $0x2  }
0xb7: {  	s31 =	sshll.u32 s1, $0xD;
	s1 =	sshrl.u32 s1, $0x2  }
0xb8: {  	s3 =	sand.u32 $0x4000, s31;
	s1 =	sadd.s32 s1, s30  }
0xb9: {  	s0 =	sor.u32 s3, s0;
	s1 =	sshll.u32 s1, $0x11  }
0xba: {  	s0 =	sor.u32 s1, s0  }
0xbb: {  	s0 =	sadd.s32 $0x8F2B, s0  }
0xbc: {  	[sflag:s0] =	ssyncadd.remote.s32 $0x1  }
0xbd: {  	_ =	sfence.sel $0xFFFF  }
0xbe: {  	[dreg:$0x0] =	wrdreg $0xFFFFFFFF;
	(pc) =	sbr.abs _section_cstart, $3  }
0xbf: {  	[dreg:$0x1] =	wrdreg $0xFFFFFFFF  }
0xc0: {  	_ =	task.clear_ibuf [dreg:s6], $0x2FFFF;
	_ =	strace $0x9FFFFFFF  }
0xc1: {  	(tm) =	ssettm $0x7FFFFFFF  }
tec
execute0_lowered:
.L_overlay_start_1:
0x0: {  	(tag) =	ssettag $0x1  }
0x1: {  	v0 =	vimm.s32 $0xFEDCBA9;
	v1 =	vimm.s32 $0x87654321  }
0x2: {  	v2 =	vimm.s32 $0x10FEDCBA;
	v3 =	vimm.s32 $0x98765432;
	v4 =	vimm.s32 $0x3210FEDC  }
0x3: {  	v5 =	vimm.s32 $0xBA987654;
	v6 =	vimm.s32 $0xFEDCBA98;
	v7 =	vimm.s32 $0x76543210  }
0x4: {  	s3 =	rddreg [dreg:$0x0];
	v0 =	vunpack.c.l.s4.s8 v0;
	v1 =	vunpack.c.l.s4.s8 v1;
	v2 =	vunpack.c.l.s4.s8 v2  }
0x5: {  	s0 =	rddreg [dreg:$0x1];
	s1 =	simm.s32 $0x0;
	v3 =	vunpack.c.l.s4.s8 v3;
	v4 =	vunpack.c.l.s4.s8 v4;
	v5 =	vunpack.c.l.s4.s8 v5  }
0x6: {  	s2 =	srdreg.scid;
	s8 =	simm.s32 $0x400;
	s9 =	simm.s32 $0x1;
	v6 =	vunpack.c.l.s4.s8 v6;
	v7 =	vunpack.c.l.s4.s8 v7;
	v0 =	vunpack.c.0.s8.s32 v0  }
0x7: {  	s10 =	simm.s32 $0x0;
	[smem:$0x7FF] =	sst s1;
	s5 =	sand.u32 $0x1, s2;
	v1 =	vunpack.c.0.s8.s32 v1;
	v2 =	vunpack.c.0.s8.s32 v2;
	v3 =	vunpack.c.0.s8.s32 v3  }
0x8: {  	s2 =	sadd.s32 $0x400, s3;
	s4 =	sadd.s32 $0x80400, s3;
	s6 =	ssub.s32 $0x2, s5;
	v4 =	vunpack.c.0.s8.s32 v4;
	v5 =	vunpack.c.0.s8.s32 v5;
	v6 =	vunpack.c.0.s8.s32 v6  }
0x9: {  	s3 =	stileid.u32;
	_ =	strace $0x80000047;
	s7 =	sshrl.u32 s6, $0x1;
	v0 =	vcombine.low v1, v0;
	v1 =	vcombine.low v3, v2;
	v3 =	vunpack.c.0.s8.s32 v7  }
0xa: {  	s31 =	sshll.u32 s3, $0x7;
	s5 =	sshll.u32 s5, $0x6;
	s6 =	ssub.s32 s6, s7;
	v2 =	vcombine.low v5, v4;
	v4 =	vand.u32 $0xF, v6;
	v5 =	vimm.f32 $1.000000000e+00  }
0xb: {  	s5 =	sor.u32 s5, s31;
	s7 =	simm.s32 $0x80;
	s6 =	smax.u32 s6, $0x1;
	v5 =	vand.u32 $0x7FFFFFFF, v5;
	v3 =	vcombine.low v4, v3;
	v4 =	vimm.s32 $0x0  }
.LBB2_1:
0xc: {  	s11 =	simm.s32 $0x0  }
.LBB2_2:
0xd: {  	s12 =	sadd.s32 s5, s11  }
0xe: {  	s13 =	sshll.u32 s11, $0x4;
	s12 =	sshll.u32 s12, $0x8  }
0xf: {  	s13 =	sand.u32 $0x70, s13;
	s12 =	sand.u32 $0x7F800, s12  }
0x10: {  	s12 =	sor.u32 s13, s12  }
0x11: {  	s14 =	simm.s32 $0x0;
	s13 =	sadd.s32 s2, s12  }
0x12: {  	[tilespmem:s14], [sflag:$0x1] =	stream.strided.gather [hbm4b:s13+s7], $0x800, s8, s7, $0x38;
	[tilespmem:$0x1000] =	vst v63  }
0x13: {  	_ =	swait.ge [sflag:s9], $0x800  }
0x14: {  	[sflag:s9] =	ssyncset.done $0x0  }
0x15: {  	s15 =	simm.s32 $0x0;
	[sflag:s9] =	ssyncadd.s32 $0xFFFFF800  }
0x16: {  	v7 =	vld [tilespmem:s15+$0x0]  }
0x17: {  	v9 =	vld [tilespmem:s15+$0x10]  }
0x18: {  	v10 =	vld [tilespmem:s15+$0x20]  }
0x19: {  	v8 =	vld [tilespmem:s15+$0x30]  }
0x1a: {  	v6 =	vld [tilespmem:s15+$0x40]  }
0x1b: {  	v11 =	vimm.f32 $0.0e+00;
	v12 =	vand.u32 $0x7FFFFFFF, v7;
	v7 =	vld [tilespmem:s15+$0x50]  }
0x1c: {  	v11 =	vmax.f32 v11, v12;
	v12 =	vand.u32 $0x7FFFFFFF, v9;
	v9 =	vld [tilespmem:s15+$0x60]  }
0x1d: {  	s13 =	simm.s32 $0x80;
	s14 =	simm.s32 $0x400;
	v11 =	vmax.f32 v11, v12;
	v12 =	vand.u32 $0x7FFFFFFF, v10;
	v10 =	vld [tilespmem:s15+$0x70]  }
.LBB2_3:
0x1e: {  	p0 =	sne.s32 s14, $0x1E00;
	v13 =	vld [tilespmem:s13+$0x0];
	v11 =	vmax.f32 v11, v12;
	v8 =	vand.u32 $0x7FFFFFFF, v8  }
0x1f: {  	v12 =	vld [tilespmem:s13+$0x10];
	v8 =	vmax.f32 v11, v8;
	v6 =	vand.u32 $0x7FFFFFFF, v6  }
0x20: {  	v14 =	vld [tilespmem:s13+$0x20];
	v6 =	vmax.f32 v8, v6;
	v7 =	vand.u32 $0x7FFFFFFF, v7  }
.Ltmp0:
0x21: {  	v8 =	vld [tilespmem:s13+$0x30];
	v7 =	vmax.f32 v6, v7;
	v9 =	vand.u32 $0x7FFFFFFF, v9;
	(pc) =	sbr.rel @p0 .LBB2_3-.Ltmp0, $4  }
0x22: {  	v6 =	vld [tilespmem:s13+$0x40];
	v9 =	vmax.f32 v7, v9;
	v10 =	vand.u32 $0x7FFFFFFF, v10  }
0x23: {  	v11 =	vand.u32 $0x7FFFFFFF, v13;
	v7 =	vld [tilespmem:s13+$0x50];
	v9 =	vmax.f32 v9, v10  }
0x24: {  	v10 =	vmax.f32 v9, v11;
	v11 =	vand.u32 $0x7FFFFFFF, v12;
	v9 =	vld [tilespmem:s13+$0x60]  }
0x25: {  	v11 =	vmax.f32 v10, v11;
	v12 =	vand.u32 $0x7FFFFFFF, v14;
	v10 =	vld [tilespmem:s13+$0x70];
	s13 =	sshra.s32 s14, $0x2;
	s14 =	sadd.s32 $0x200, s14  }
0x26: {  	v13 =	vld [tilespmem:s13+$0x0];
	v11 =	vmax.f32 v11, v12;
	v8 =	vand.u32 $0x7FFFFFFF, v8  }
0x27: {  	v12 =	vld [tilespmem:s13+$0x10];
	v8 =	vmax.f32 v11, v8;
	v6 =	vand.u32 $0x7FFFFFFF, v6  }
0x28: {  	v11 =	vld [tilespmem:s13+$0x20];
	v6 =	vmax.f32 v8, v6;
	v7 =	vand.u32 $0x7FFFFFFF, v7  }
0x29: {  	v8 =	vld [tilespmem:s13+$0x30];
	v6 =	vmax.f32 v6, v7;
	v7 =	vand.u32 $0x7FFFFFFF, v9  }
0x2a: {  	v9 =	vld [tilespmem:s13+$0x40];
	v6 =	vmax.f32 v6, v7;
	v7 =	vand.u32 $0x7FFFFFFF, v10  }
0x2b: {  	v10 =	vand.u32 $0x7FFFFFFF, v13;
	v13 =	vld [tilespmem:s13+$0x50];
	v6 =	vmax.f32 v6, v7  }
0x2c: {  	v7 =	vand.u32 $0x7FFFFFFF, v12;
	v6 =	vmax.f32 v6, v10;
	v10 =	vld [tilespmem:s13+$0x60]  }
0x2d: {  	v6 =	vmax.f32 v6, v7;
	v7 =	vand.u32 $0x7FFFFFFF, v11;
	v11 =	vld [tilespmem:s13+$0x70]  }
0x2e: {  	v6 =	vmax.f32 v6, v7;
	v7 =	vand.u32 $0x7FFFFFFF, v8  }
0x2f: {  	v6 =	vmax.f32 v6, v7;
	v7 =	vand.u32 $0x7FFFFFFF, v9  }
0x30: {  	v6 =	vmax.f32 v6, v7;
	v7 =	vand.u32 $0x7FFFFFFF, v13  }
0x31: {  	v6 =	vmax.f32 v6, v7;
	v7 =	vand.u32 $0x7FFFFFFF, v10  }
0x32: {  	v6 =	vmax.f32 v6, v7;
	v7 =	vand.u32 $0x7FFFFFFF, v11  }
0x33: {  	v6 =	vmax.f32 v6, v7  }
0x34: {  	v7 =	vperm.xlane v6, v0;
	_ =	sdelay $0x1  }
0x35: {  	v6 =	vmax.f32 v6, v7  }
0x36: {  	v7 =	vperm.xlane v6, v1;
	_ =	sdelay $0x1  }
0x37: {  	v6 =	vmax.f32 v6, v7  }
0x38: {  	v7 =	vperm.xlane v6, v2;
	_ =	sdelay $0x1  }
0x39: {  	v6 =	vmax.f32 v6, v7  }
0x3a: {  	v7 =	vperm.xlane v6, v3;
	_ =	sdelay $0x1  }
0x3b: {  	v6 =	vmax.f32 v6, v7  }
0x3c: {  	v7 =	vmax.f32 v6, $9.999999930e-09  }
0x3d: {  	(erf) = vrcp.f32 v7;
	_ =	sdelay $0x4  }
0x3e: {  	s15 =	simm.s32 $0x0  }
0x3f: {  	v9 =	vld [tilespmem:s15+$0x70];
	_ =	sdelay $0x1  }
0x40: {  	v11 =	vld [tilespmem:s15+$0x10]  }
0x41: {  	v13 =	vld [tilespmem:s15+$0x20];
	v8 =	vpop (erf)  }
0x42: {  	v10 =	vld [tilespmem:s15+$0x0];
	v6 =	vmul.f32 $9.999990460e-01, v8  }
0x43: {  	v14 =	vld [tilespmem:s15+$0x30];
	v9 =	vand.u32 $0x7FFFFFFF, v9  }
0x44: {  	v15 =	vld [tilespmem:s15+$0x40];
	v9 =	vmul.f32 v9, v6  }
0x45: {  	v11 =	vand.u32 $0x7FFFFFFF, v11  }
0x46: {  	v12 =	vmul.f32 v11, v6;
	v11 =	vand.u32 $0x7FFFFFFF, v13;
	v16 =	vadd.f32 $1.000000000e+00, v9;
	v9 =	vld [tilespmem:s15+$0x50]  }
0x47: {  	v10 =	vand.u32 $0x7FFFFFFF, v10;
	v13 =	vmul.f32 v11, v6;
	v11 =	vld [tilespmem:s15+$0x60]  }
0x48: {  	v10 =	vmul.f32 v10, v6  }
0x49: {  	v14 =	vand.u32 $0x7FFFFFFF, v14;
	v15 =	vand.u32 $0x7FFFFFFF, v15  }
0x4a: {  	s14 =	simm.s32 $0x80;
	s16 =	simm.s32 $0x400;
	s13 =	simm.s32 $0x0;
	v14 =	vmul.f32 v14, v6;
	v10 =	vadd.f32 $1.000000000e+00, v10;
	v16 =	vshra.s32 v16, $0x8  }
.LBB2_5:
0x4b: {  	p0 =	sne.s32 s16, $0x1E00;
	v17 =	vld [tilespmem:s14+$0x70];
	v12 =	vadd.f32 $1.000000000e+00, v12;
	v15 =	vmul.f32 v15, v6;
	v9 =	vand.u32 $0x7FFFFFFF, v9;
	[tilespmem:s15+$0x870] =	vst v16  }
0x4c: {  	v13 =	vadd.f32 $1.000000000e+00, v13;
	v16 =	vld [tilespmem:s14+$0x0];
	v9 =	vmul.f32 v9, v6;
	v11 =	vand.u32 $0x7FFFFFFF, v11  }
0x4d: {  	v14 =	vadd.f32 $1.000000000e+00, v14;
	v18 =	vld [tilespmem:s14+$0x10];
	v15 =	vadd.f32 $1.000000000e+00, v15;
	v11 =	vmul.f32 v11, v6  }
0x4e: {  	v10 =	vshra.s32 v10, $0x8;
	v12 =	vshra.s32 v12, $0x8;
	v19 =	vld [tilespmem:s14+$0x20];
	v9 =	vadd.f32 $1.000000000e+00, v9  }
0x4f: {  	v20 =	vld [tilespmem:s14+$0x30];
	[tilespmem:s15+$0x800] =	vst v10;
	v10 =	vshra.s32 v13, $0x8;
	v13 =	vshra.s32 v14, $0x8;
	v11 =	vadd.f32 $1.000000000e+00, v11  }
0x50: {  	v15 =	vshra.s32 v15, $0x8;
	v21 =	vld [tilespmem:s14+$0x40];
	v14 =	vand.u32 $0x7FFFFFFF, v17;
	[tilespmem:s15+$0x810] =	vst v12;
	v17 =	vshra.s32 v9, $0x8  }
.Ltmp1:
0x51: {  	v12 =	vand.u32 $0x7FFFFFFF, v16;
	v9 =	vld [tilespmem:s14+$0x50];
	v14 =	vmul.f32 v14, v6;
	[tilespmem:s15+$0x820] =	vst v10;
	v22 =	vshra.s32 v11, $0x8;
	(pc) =	sbr.rel @p0 .LBB2_5-.Ltmp1, $4  }
0x52: {  	v10 =	vmul.f32 v12, v6;
	v12 =	vand.u32 $0x7FFFFFFF, v18;
	v11 =	vld [tilespmem:s14+$0x60];
	[tilespmem:s15+$0x830] =	vst v13  }
0x53: {  	v12 =	vmul.f32 v12, v6;
	v13 =	vand.u32 $0x7FFFFFFF, v19;
	v16 =	vadd.f32 $1.000000000e+00, v14;
	[tilespmem:s15+$0x840] =	vst v15  }
0x54: {  	v10 =	vadd.f32 $1.000000000e+00, v10;
	v13 =	vmul.f32 v13, v6;
	v14 =	vand.u32 $0x7FFFFFFF, v20;
	[tilespmem:s15+$0x850] =	vst v17  }
0x55: {  	v14 =	vmul.f32 v14, v6;
	v15 =	vand.u32 $0x7FFFFFFF, v21;
	v16 =	vshra.s32 v16, $0x8;
	[tilespmem:s15+$0x860] =	vst v22;
	s15 =	smov.u32 s14;
	s14 =	sshra.s32 s16, $0x2;
	s16 =	sadd.s32 $0x200, s16  }
0x56: {  	v17 =	vld [tilespmem:s14+$0x70];
	[tilespmem:s15+$0x870] =	vst v16  }
0x57: {  	v12 =	vadd.f32 $1.000000000e+00, v12;
	v15 =	vmul.f32 v15, v6;
	v16 =	vld [tilespmem:s14+$0x0]  }
0x58: {  	v9 =	vand.u32 $0x7FFFFFFF, v9;
	v13 =	vadd.f32 $1.000000000e+00, v13;
	v10 =	vshra.s32 v10, $0x8;
	v18 =	vld [tilespmem:s14+$0x10]  }
0x59: {  	v19 =	vld [tilespmem:s14+$0x20];
	v9 =	vmul.f32 v9, v6;
	v11 =	vand.u32 $0x7FFFFFFF, v11;
	v14 =	vadd.f32 $1.000000000e+00, v14  }
0x5a: {  	v20 =	vld [tilespmem:s14+$0x30];
	[tilespmem:s15+$0x800] =	vst v10;
	v10 =	vadd.f32 $1.000000000e+00, v15;
	v11 =	vmul.f32 v11, v6;
	v12 =	vshra.s32 v12, $0x8  }
0x5b: {  	v49 =	vld [tilespmem:s14+$0x40];
	v13 =	vshra.s32 v13, $0x8;
	v9 =	vadd.f32 $1.000000000e+00, v9;
	v14 =	vshra.s32 v14, $0x8  }
0x5c: {  	[tilespmem:s15+$0x810] =	vst v12;
	v11 =	vadd.f32 $1.000000000e+00, v11;
	v10 =	vshra.s32 v10, $0x8;
	v50 =	vand.u32 $0x7FFFFFFF, v17  }
0x5d: {  	v51 =	vld [tilespmem:s14+$0x50];
	v9 =	vshra.s32 v9, $0x8;
	v16 =	vand.u32 $0x7FFFFFFF, v16;
	v12 =	vmul.f32 v50, v6  }
0x5e: {  	[tilespmem:s15+$0x820] =	vst v13;
	v11 =	vshra.s32 v11, $0x8;
	v53 =	vand.u32 $0x7FFFFFFF, v18;
	v56 =	vand.u32 $0x7FFFFFFF, v19  }
0x5f: {  	v54 =	vld [tilespmem:s14+$0x60];
	[tilespmem:s15+$0x830] =	vst v14;
	v58 =	vand.u32 $0x7FFFFFFF, v20;
	v52 =	vmul.f32 v16, v6;
	v55 =	vmul.f32 v53, v6  }
0x60: {  	[tilespmem:s15+$0x840] =	vst v10;
	v57 =	vmul.f32 v56, v6;
	v15 =	vand.u32 $0x7FFFFFFF, v49;
	v12 =	vadd.f32 $1.000000000e+00, v12  }
0x61: {  	[tilespmem:s15+$0x850] =	vst v9;
	v9 =	vmul.f32 v58, v6;
	v59 =	vmul.f32 v15, v6;
	v10 =	vadd.f32 $1.000000000e+00, v52  }
0x62: {  	[tilespmem:s15+$0x860] =	vst v11;
	v11 =	vadd.f32 $1.000000000e+00, v55;
	v60 =	vand.u32 $0x7FFFFFFF, v51;
	v12 =	vshra.s32 v12, $0x8  }
0x63: {  	v61 =	vadd.f32 $1.000000000e+00, v57;
	v9 =	vadd.f32 $1.000000000e+00, v9;
	[tilespmem:s14+$0x870] =	vst v12;
	v10 =	vshra.s32 v10, $0x8  }
0x64: {  	v62 =	vmul.f32 v60, v6;
	v63 =	vand.u32 $0x7FFFFFFF, v54;
	v11 =	vshra.s32 v11, $0x8;
	[tilespmem:s14+$0x800] =	vst v10  }
0x65: {  	v6 =	vmul.f32 v63, v6;
	v12 =	vshra.s32 v61, $0x8;
	v10 =	vadd.f32 $1.000000000e+00, v59;
	[tilespmem:s14+$0x810] =	vst v11  }
0x66: {  	v9 =	vshra.s32 v9, $0x8;
	v11 =	vadd.f32 $1.000000000e+00, v62;
	[tilespmem:s14+$0x820] =	vst v12  }
0x67: {  	[tilespmem:s14+$0x830] =	vst v9;
	v6 =	vadd.f32 $1.000000000e+00, v6;
	v10 =	vshra.s32 v10, $0x8  }
0x68: {  	v9 =	vshra.s32 v11, $0x8;
	[tilespmem:s14+$0x840] =	vst v10  }
0x69: {  	v6 =	vshra.s32 v6, $0x8;
	[tilespmem:s14+$0x850] =	vst v9  }
0x6a: {  	v9 =	vimm.s32 $0x400000;
	[tilespmem:s14+$0x860] =	vst v6;
	v6 =	vimm.s32 $0x3F8000  }
.LBB2_7:
0x6b: {  	s16 =	simm.s32 $0x0  }
0x6c: {  	v11 =	vld [tilespmem:s16+$0x800]  }
0x6d: {  	v13 =	vld [tilespmem:s16+$0x810]  }
0x6e: {  	v15 =	vld [tilespmem:s16+$0x820]  }
0x6f: {  	v10 =	vadd.s32 v6, v9;
	v14 =	vld [tilespmem:s16+$0x830]  }
0x70: {  	v10 =	vshra.s32 v10, $0x1;
	v12 =	vld [tilespmem:s16+$0x840]  }
0x71: {  	vm0 =	vge.s32 v11, v10;
	v11 =	vld [tilespmem:s16+$0x850]  }
0x72: {  	v16 =	vimm.s32 $0x0;
	v17 =	vsel vm0, $0x1, v4;
	vm0 =	vge.s32 v13, v10;
	v13 =	vld [tilespmem:s16+$0x860]  }
0x73: {  	s14 =	simm.s32 $0x80;
	s15 =	simm.s32 $0x400;
	v16 =	vadd.s32 v17, v16;
	v17 =	vsel vm0, $0x1, v4;
	vm0 =	vge.s32 v15, v10;
	v15 =	vld [tilespmem:s16+$0x870]  }
.LBB2_8:
0x74: {  	p0 =	sne.s32 s15, $0x1E00;
	v18 =	vld [tilespmem:s14+$0x800];
	v16 =	vadd.s32 v17, v16;
	v17 =	vsel vm0, $0x1, v4;
	vm0 =	vge.s32 v14, v10  }
0x75: {  	v19 =	vld [tilespmem:s14+$0x810];
	v14 =	vadd.s32 v17, v16;
	v16 =	vsel vm0, $0x1, v4;
	vm0 =	vge.s32 v12, v10  }
0x76: {  	v20 =	vld [tilespmem:s14+$0x820];
	v12 =	vadd.s32 v16, v14;
	v16 =	vsel vm0, $0x1, v4;
	vm0 =	vge.s32 v11, v10  }
.Ltmp2:
0x77: {  	v14 =	vld [tilespmem:s14+$0x830];
	v11 =	vadd.s32 v16, v12;
	v16 =	vsel vm0, $0x1, v4;
	vm0 =	vge.s32 v13, v10;
	(pc) =	sbr.rel @p0 .LBB2_8-.Ltmp2, $4  }
0x78: {  	v12 =	vld [tilespmem:s14+$0x840];
	v13 =	vadd.s32 v16, v11;
	v16 =	vsel vm0, $0x1, v4;
	vm0 =	vge.s32 v15, v10  }
0x79: {  	vm1 =	vge.s32 v18, v10;
	v11 =	vld [tilespmem:s14+$0x850];
	v15 =	vadd.s32 v16, v13;
	v16 =	vsel vm0, $0x1, v4  }
0x7a: {  	v17 =	vsel vm1, $0x1, v4;
	vm0 =	vge.s32 v19, v10;
	v13 =	vld [tilespmem:s14+$0x860];
	v15 =	vadd.s32 v16, v15  }
0x7b: {  	v16 =	vadd.s32 v17, v15;
	v17 =	vsel vm0, $0x1, v4;
	vm0 =	vge.s32 v20, v10;
	v15 =	vld [tilespmem:s14+$0x870];
	s14 =	sshra.s32 s15, $0x2;
	s15 =	sadd.s32 $0x200, s15  }
0x7c: {  	v18 =	vld [tilespmem:s14+$0x800];
	v16 =	vadd.s32 v17, v16;
	v47 =	vsel vm0, $0x1, v4;
	vm15 =	vge.s32 v14, v10  }
0x7d: {  	v48 =	vld [tilespmem:s14+$0x810];
	v16 =	vadd.s32 v47, v16;
	v49 =	vsel vm15, $0x1, v4;
	vm4 =	vge.s32 v12, v10  }
0x7e: {  	v50 =	vld [tilespmem:s14+$0x820];
	v16 =	vadd.s32 v49, v16;
	v51 =	vsel vm4, $0x1, v4;
	vm5 =	vge.s32 v11, v10  }
0x7f: {  	v11 =	vld [tilespmem:s14+$0x830];
	v16 =	vadd.s32 v51, v16;
	v52 =	vsel vm5, $0x1, v4;
	vm6 =	vge.s32 v13, v10  }
0x80: {  	v53 =	vld [tilespmem:s14+$0x840];
	v16 =	vadd.s32 v52, v16;
	v54 =	vsel vm6, $0x1, v4;
	vm7 =	vge.s32 v15, v10  }
0x81: {  	v55 =	vld [tilespmem:s14+$0x850];
	vm1 =	vge.s32 v18, v10;
	v16 =	vadd.s32 v54, v16;
	v56 =	vsel vm7, $0x1, v4  }
0x82: {  	v57 =	vld [tilespmem:s14+$0x860];
	vm8 =	vge.s32 v48, v10;
	v18 =	vsel vm1, $0x1, v4;
	v16 =	vadd.s32 v56, v16  }
0x83: {  	v59 =	vld [tilespmem:s14+$0x870];
	vm9 =	vge.s32 v50, v10;
	v58 =	vsel vm8, $0x1, v4;
	v16 =	vadd.s32 v18, v16  }
0x84: {  	v60 =	vsel vm9, $0x1, v4;
	vm10 =	vge.s32 v11, v10;
	v16 =	vadd.s32 v58, v16  }
0x85: {  	vm11 =	vge.s32 v53, v10;
	v61 =	vsel vm10, $0x1, v4;
	v11 =	vadd.s32 v60, v16  }
0x86: {  	vm12 =	vge.s32 v55, v10;
	v13 =	vsel vm11, $0x1, v4;
	v11 =	vadd.s32 v61, v11  }
0x87: {  	vm13 =	vge.s32 v57, v10;
	v62 =	vsel vm12, $0x1, v4;
	v11 =	vadd.s32 v13, v11  }
0x88: {  	vm14 =	vge.s32 v59, v10;
	v63 =	vsel vm13, $0x1, v4;
	v11 =	vadd.s32 v62, v11  }
0x89: {  	v12 =	vsel vm14, $0x1, v4;
	v11 =	vadd.s32 v63, v11  }
0x8a: {  	v11 =	vadd.s32 v12, v11  }
0x8b: {  	v12 =	vperm.xlane v11, v0;
	_ =	sdelay $0x1  }
0x8c: {  	v11 =	vadd.s32 v11, v12  }
0x8d: {  	v12 =	vperm.xlane v11, v1;
	_ =	sdelay $0x1  }
0x8e: {  	v11 =	vadd.s32 v12, v11  }
0x8f: {  	v12 =	vperm.xlane v11, v2  }
0x90: {  	s13 =	sadd.s32 $0x1, s13  }
0x91: {  	p0 =	sne.s32 s13, $0xF;
	v11 =	vadd.s32 v12, v11  }
.Ltmp3:
0x92: {  	v12 =	vperm.xlane v11, v3;
	(pc) =	sbr.rel @p0 .LBB2_7-.Ltmp3, $4  }
0x93: {  	_ = 	snop  }
0x94: {  	v11 =	vadd.s32 v12, v11  }
0x95: {  	vm15 =	vgt.s32 v11, $0x465  }
0x96: {  	v6 =	vsel vm15, v10, v6;
	v9 =	vsel vm15, v9, v10  }
0x97: {  	s13 =	simm.s32 $0x0  }
0x98: {  	v9 =	vld [tilespmem:s13+$0x40]  }
0x99: {  	v10 =	vld [tilespmem:s13+$0x820]  }
0x9a: {  	v11 =	vld [tilespmem:s13+$0x860]  }
0x9b: {  	v12 =	vld [tilespmem:s13+$0x50]  }
0x9c: {  	v13 =	vld [tilespmem:s13+$0x20];
	_ =	sdelay $0x1  }
0x9d: {  	v8 =	vmul.f32 $1.270000000e+02, v8;
	_ =	sdelay $0x1  }
0x9e: {  	v7 =	vmul.f32 $7.874015710e-03, v7;
	v14 =	vmul.f32 v9, v8;
	v9 =	vld [tilespmem:s13+$0x70];
	vm9 =	vlt.s32 v11, v6  }
0x9f: {  	v11 =	vld [tilespmem:s13+$0x870];
	vm10 =	vlt.s32 v10, v6;
	v10 =	vmul.f32 v12, v8;
	v12 =	vmul.f32 v13, v8  }
0xa0: {  	v13 =	vld [tilespmem:s13+$0x60];
	v15 =	vand.u32 $0x7FFFFFFF, v14;
	v16 =	vand.u32 $0x80000000, v14;
	vm2 =	vgt.f32 v14, $0.0e+00  }
0xa1: {  	vm3 =	vgt.f32 v10, $0.0e+00;
	vm4 =	vlt.f32 v12, $0.0e+00;
	vm5 =	vlt.f32 v10, $0.0e+00  }
0xa2: {  	vm6 =	vgt.f32 v12, $0.0e+00;
	v19 =	vand.u32 $0x80000000, v10;
	v15 =	vadd.f32 $5.000000000e-01, v15  }
0xa3: {  	v23 =	vand.u32 $0x7FFFFFFF, v12;
	v16 =	vor.u32 v16, v5;
	vm3 =	vmor vm3, vm5  }
0xa4: {  	vm5 =	vmor vm6, vm4;
	v9 =	vmul.f32 v9, v8;
	v15 =	vtrunc.f32 v15  }
0xa5: {  	vm6 =	vlt.s32 v11, v6;
	v13 =	vmul.f32 v13, v8;
	v11 =	vcvt.f32.s32 v15  }
0xa6: {  	v17 =	vld [tilespmem:s13+$0x0];
	vm7 =	vlt.f32 v9, $0.0e+00;
	vm8 =	vgt.f32 v9, $0.0e+00;
	v18 =	vand.u32 $0x80000000, v9  }
0xa7: {  	v15 =	vld [tilespmem:s13+$0x30];
	vm4 =	vmor vm8, vm7;
	v20 =	vcvt.s32.f32 v11;
	v11 =	vor.u32 v18, v5  }
0xa8: {  	v22 =	vand.u32 $0x80000000, v13;
	vm7 =	vlt.f32 v14, $0.0e+00;
	v18 =	vsel vm4, v11, v9  }
0xa9: {  	vm4 =	vlt.f32 v13, $0.0e+00;
	v11 =	vor.u32 v19, v5;
	vm7 =	vmor vm2, vm7  }
0xaa: {  	v21 =	vsel vm3, v11, v10;
	vm3 =	vgt.f32 v13, $0.0e+00;
	v11 =	vand.u32 $0x7FFFFFFF, v10  }
0xab: {  	v19 =	vld [tilespmem:s13+$0x10];
	v10 =	vmul.f32 v17, v8;
	v17 =	vand.u32 $0x7FFFFFFF, v9;
	v14 =	vsel vm7, v16, v14  }
0xac: {  	v9 =	vmul.f32 v15, v8;
	v15 =	vand.u32 $0x7FFFFFFF, v13;
	v17 =	vadd.f32 $5.000000000e-01, v17  }
0xad: {  	v25 =	vld [tilespmem:s13+$0x840];
	v24 =	vadd.f32 $5.000000000e-01, v11;
	vm3 =	vmor vm3, vm4;
	v20 =	vmul.f32 v20, v14  }
0xae: {  	v15 =	vadd.f32 $5.000000000e-01, v15;
	vm2 =	vgt.f32 v10, $0.0e+00;
	vm4 =	vlt.f32 v10, $0.0e+00  }
0xaf: {  	v17 =	vtrunc.f32 v17;
	vm7 =	vlt.f32 v9, $0.0e+00;
	vm8 =	vgt.f32 v9, $0.0e+00  }
0xb0: {  	v16 =	vld [tilespmem:s13+$0x850];
	v11 =	vmul.f32 v19, v8;
	v19 =	vor.u32 v22, v5;
	v17 =	vcvt.f32.s32 v17  }
0xb1: {  	vm7 =	vmor vm8, vm7;
	v22 =	vand.u32 $0x80000000, v12;
	v15 =	vtrunc.f32 v15  }
0xb2: {  	v14 =	vsel vm3, v19, v13;
	v13 =	vtrunc.f32 v24;
	vm3 =	vlt.s32 v25, v6  }
0xb3: {  	v19 =	vmul.f32 v20, v7;
	v20 =	vadd.f32 $5.000000000e-01, v23;
	v17 =	vcvt.s32.f32 v17  }
0xb4: {  	v23 =	vand.u32 $0x7FFFFFFF, v9;
	v13 =	vcvt.f32.s32 v13;
	vm8 =	vgt.f32 v11, $0.0e+00  }
0xb5: {  	v17 =	vmul.f32 v17, v18;
	v18 =	vsel vm3, $0x0, v19;
	vm3 =	vlt.s32 v16, v6  }
0xb6: {  	v13 =	vcvt.s32.f32 v13;
	v16 =	vor.u32 v22, v5;
	v22 =	vadd.f32 $5.000000000e-01, v23  }
0xb7: {  	v16 =	vsel vm5, v16, v12;
	vm5 =	vlt.f32 v11, $0.0e+00;
	v12 =	vmul.f32 v17, v7  }
0xb8: {  	v17 =	vtrunc.f32 v20;
	v20 =	vand.u32 $0x7FFFFFFF, v11;
	v23 =	vmul.f32 v13, v21  }
0xb9: {  	v13 =	vand.u32 $0x7FFFFFFF, v10;
	v21 =	vcvt.f32.s32 v15;
	v17 =	vcvt.f32.s32 v17  }
0xba: {  	v20 =	vadd.f32 $5.000000000e-01, v20;
	v63 =	vadd.f32 $5.000000000e-01, v13;
	v19 =	vsel vm6, $0x0, v12  }
0xbb: {  	v12 =	vtrunc.f32 v22;
	v22 =	vand.u32 $0x80000000, v9;
	v21 =	vcvt.s32.f32 v21  }
0xbc: {  	[tilespmem:s13+$0x40] =	vst v18;
	v18 =	vmul.f32 v23, v7;
	v15 =	vtrunc.f32 v20;
	v13 =	vor.u32 v22, v5  }
0xbd: {  	v20 =	vcvt.s32.f32 v17;
	v17 =	vand.u32 $0x80000000, v10;
	v22 =	vtrunc.f32 v63  }
0xbe: {  	s14 =	simm.s32 $0x200;
	v15 =	vcvt.f32.s32 v15;
	v17 =	vor.u32 v17, v5;
	v22 =	vcvt.f32.s32 v22  }
.LBB2_11:
0xbf: {  	vm2 =	vmor vm2, vm4  }
0xc0: {  	s15 =	sshra.s32 s14, $0x2;
	v16 =	vmul.f32 v20, v16;
	[tilespmem:s13+$0x70] =	vst v19;
	vm4 =	vmor vm8, vm5;
	v12 =	vcvt.f32.s32 v12  }
0xc1: {  	v14 =	vmul.f32 v21, v14;
	v19 =	vld [tilespmem:s15+$0x40];
	v20 =	vcvt.s32.f32 v22;
	v21 =	vand.u32 $0x80000000, v11  }
0xc2: {  	v10 =	vsel vm2, v17, v10;
	v22 =	vld [tilespmem:s13+$0x800];
	v17 =	vor.u32 v21, v5;
	v16 =	vmul.f32 v16, v7  }
0xc3: {  	v15 =	vcvt.s32.f32 v15;
	v21 =	vld [tilespmem:s13+$0x830];
	v11 =	vsel vm4, v17, v11;
	v17 =	vsel vm3, $0x0, v18  }
0xc4: {  	v12 =	vcvt.s32.f32 v12;
	v18 =	vld [tilespmem:s13+$0x810];
	v14 =	vmul.f32 v14, v7;
	v16 =	vsel vm10, $0x0, v16;
	[tilespmem:s13+$0x50] =	vst v17  }
0xc5: {  	v9 =	vsel vm7, v13, v9;
	v10 =	vmul.f32 v20, v10;
	v17 =	vld [tilespmem:s15+$0x820];
	[tilespmem:s13+$0x20] =	vst v16  }
0xc6: {  	v11 =	vmul.f32 v15, v11;
	v9 =	vmul.f32 v12, v9;
	v14 =	vsel vm9, $0x0, v14;
	v13 =	vld [tilespmem:s15+$0x860]  }
0xc7: {  	v10 =	vmul.f32 v10, v7;
	v15 =	vld [tilespmem:s15+$0x870];
	[tilespmem:s13+$0x60] =	vst v14;
	v14 =	vmul.f32 v19, v8;
	vm0 =	vlt.s32 v22, v6  }
0xc8: {  	v11 =	vmul.f32 v11, v7;
	v9 =	vmul.f32 v9, v7;
	vm1 =	vlt.s32 v21, v6  }
0xc9: {  	v12 =	vld [tilespmem:s15+$0x50];
	v10 =	vsel vm0, $0x0, v10;
	vm0 =	vlt.s32 v18, v6;
	v19 =	vand.u32 $0x7FFFFFFF, v14  }
0xca: {  	v16 =	vld [tilespmem:s15+$0x60];
	v20 =	vand.u32 $0x80000000, v14;
	v9 =	vsel vm1, $0x0, v9;
	vm7 =	vgt.f32 v14, $0.0e+00  }
0xcb: {  	v18 =	vld [tilespmem:s15+$0x20];
	[tilespmem:s13+$0x0] =	vst v10;
	vm9 =	vlt.f32 v14, $0.0e+00;
	v10 =	vsel vm0, $0x0, v11;
	v19 =	vadd.f32 $5.000000000e-01, v19  }
0xcc: {  	v11 =	vld [tilespmem:s15+$0x0];
	[tilespmem:s13+$0x10] =	vst v10;
	vm0 =	vlt.s32 v17, v6;
	v10 =	vimm.s32 $0x0;
	v17 =	vor.u32 v20, v5  }
0xcd: {  	vm6 =	vlt.s32 v13, v6;
	v10 =	vsel vm0, $0xFFFFFFFF, v10;
	vm0 =	vlt.s32 v15, v6  }
0xce: {  	[tilespmem:$0x1FFE0] =	vst v10;
	v10 =	vtrunc.f32 v19;
	v13 =	vmul.f32 v12, v8;
	v12 =	vimm.s32 $0x0  }
0xcf: {  	[tilespmem:s13+$0x30] =	vst v9;
	s13 =	smov.u32 s15;
	v15 =	vmul.f32 v16, v8;
	v12 =	vsel vm0, $0xFFFFFFFF, v12;
	v10 =	vcvt.f32.s32 v10  }
0xd0: {  	v9 =	vld [tilespmem:s13+$0x30];
	v16 =	vmul.f32 v18, v8;
	v18 =	vand.u32 $0x80000000, v13;
	vm13 =	vgt.f32 v13, $0.0e+00  }
0xd1: {  	v23 =	vld [tilespmem:s13+$0x70];
	vm11 =	vlt.f32 v15, $0.0e+00;
	vm12 =	vgt.f32 v15, $0.0e+00;
	v21 =	vand.u32 $0x7FFFFFFF, v13  }
0xd2: {  	v25 =	vld [tilespmem:s13+$0x850];
	v22 =	vand.u32 $0x80000000, v15;
	vm14 =	vlt.f32 v13, $0.0e+00;
	v20 =	vcvt.s32.f32 v10  }
0xd3: {  	v19 =	vld [tilespmem:s13+$0x840];
	vm8 =	vlt.f32 v16, $0.0e+00;
	v10 =	vmul.f32 v11, v8;
	v11 =	vand.u32 $0x7FFFFFFF, v15  }
0xd4: {  	v24 =	vand.u32 $0x7FFFFFFF, v16;
	v21 =	vadd.f32 $5.000000000e-01, v21;
	v22 =	vor.u32 v22, v5  }
0xd5: {  	v18 =	vor.u32 v18, v5;
	vm0 =	vgt.f32 v16, $0.0e+00;
	vm14 =	vmor vm13, vm14  }
0xd6: {  	[tilespmem:$0x1FFF0] =	vst v12;
	v12 =	vld [tilespmem:s13+$0x10];
	v9 =	vmul.f32 v9, v8;
	v26 =	vadd.f32 $5.000000000e-01, v11;
	v23 =	vmul.f32 v23, v8  }
0xd7: {  	vm3 =	vlt.s32 v25, v6;
	vm13 =	vmor vm0, vm8;
	v13 =	vsel vm14, v18, v13  }
0xd8: {  	vm2 =	vgt.f32 v10, $0.0e+00;
	vm4 =	vlt.f32 v10, $0.0e+00;
	vm10 =	vlt.s32 v19, v6  }
0xd9: {  	v19 =	vadd.f32 $5.000000000e-01, v24;
	v57 =	vand.u32 $0x7FFFFFFF, v9;
	vm15 =	vlt.f32 v23, $0.0e+00  }
0xda: {  	v27 =	vand.u32 $0x80000000, v23;
	vm1 =	vgt.f32 v23, $0.0e+00;
	v18 =	vtrunc.f32 v26  }
0xdb: {  	v61 =	vand.u32 $0x80000000, v9;
	v11 =	vmul.f32 v12, v8;
	v12 =	vtrunc.f32 v21  }
0xdc: {  	v21 =	vand.u32 $0x80000000, v16;
	v19 =	vtrunc.f32 v19;
	v24 =	vadd.f32 $5.000000000e-01, v57  }
0xdd: {  	v27 =	vor.u32 v27, v5;
	vm0 =	vmor vm1, vm15;
	vm1 =	vmor vm7, vm9  }
0xde: {  	vm9 =	vmmov vm6;
	v18 =	vcvt.f32.s32 v18;
	v12 =	vcvt.f32.s32 v12  }
0xdf: {  	vm7 =	vgt.f32 v9, $0.0e+00;
	v19 =	vcvt.f32.s32 v19;
	v14 =	vsel vm1, v17, v14  }
0xe0: {  	v17 =	vand.u32 $0x7FFFFFFF, v10;
	v58 =	vcvt.s32.f32 v12;
	v12 =	vand.u32 $0x7FFFFFFF, v23  }
0xe1: {  	vm1 =	vlt.f32 v9, $0.0e+00;
	v20 =	vmul.f32 v20, v14;
	v12 =	vadd.f32 $5.000000000e-01, v12  }
0xe2: {  	vm5 =	vlt.f32 v11, $0.0e+00;
	v23 =	vsel vm0, v27, v23;
	vm0 =	vmor vm12, vm11  }
0xe3: {  	v14 =	vsel vm0, v22, v15;
	v22 =	vmul.f32 v20, v7;
	v29 =	vtrunc.f32 v12  }
0xe4: {  	v20 =	vcvt.s32.f32 v19;
	v19 =	vor.u32 v21, v5;
	v60 =	vcvt.f32.s32 v29  }
0xe5: {  	v28 =	vand.u32 $0x7FFFFFFF, v11;
	vm8 =	vgt.f32 v11, $0.0e+00;
	v16 =	vsel vm13, v19, v16;
	v19 =	vld [tilespmem:$0x1FFF0]  }
0xe6: {  	v59 =	vadd.f32 $5.000000000e-01, v28;
	v21 =	vsel vm10, $0x0, v22;
	v22 =	vld [tilespmem:$0x1FFE0];
	v62 =	vcvt.s32.f32 v60  }
0xe7: {  	p0 =	sne.s32 s14, $0x1E00;
	v63 =	vadd.f32 $5.000000000e-01, v17;
	vm7 =	vmor vm7, vm1;
	v12 =	vtrunc.f32 v24  }
.Ltmp4:
0xe8: {  	v15 =	vand.u32 $0x80000000, v10;
	v24 =	vtrunc.f32 v59;
	v23 =	vmul.f32 v62, v23;
	(pc) =	sbr.rel @p0 .LBB2_11-.Ltmp4, $4  }
0xe9: {  	v25 =	vmul.f32 v58, v13;
	v17 =	vor.u32 v15, v5;
	v15 =	vcvt.f32.s32 v24  }
0xea: {  	v13 =	vor.u32 v61, v5;
	[tilespmem:s13+$0x40] =	vst v21;
	v21 =	vcvt.s32.f32 v18;
	v23 =	vmul.f32 v23, v7  }
0xeb: {  	vm0 =	vnez.u8 v19;
	vm10 =	vnez.u8 v22;
	v22 =	vtrunc.f32 v63  }
0xec: {  	s14 =	sadd.s32 $0x200, s14;
	v18 =	vmul.f32 v25, v7;
	v22 =	vcvt.f32.s32 v22;
	v19 =	vsel vm0, $0x0, v23  }
0xed: {  	vm0 =	vmor vm2, vm4;
	v8 =	vmul.f32 v20, v16;
	v14 =	vmul.f32 v21, v14  }
0xee: {  	v56 =	vand.u32 $0x80000000, v11;
	vm1 =	vmor vm8, vm5;
	v12 =	vcvt.f32.s32 v12  }
0xef: {  	v58 =	vld [tilespmem:s13+$0x800];
	v15 =	vcvt.s32.f32 v15;
	v9 =	vsel vm7, v13, v9;
	v55 =	vcvt.s32.f32 v22  }
0xf0: {  	v60 =	vld [tilespmem:s13+$0x810];
	v10 =	vsel vm0, v17, v10;
	v57 =	vor.u32 v56, v5;
	v8 =	vmul.f32 v8, v7  }
0xf1: {  	v61 =	vld [tilespmem:s13+$0x830];
	v59 =	vsel vm1, v57, v11;
	v12 =	vcvt.s32.f32 v12;
	v10 =	vmul.f32 v55, v10  }
0xf2: {  	[tilespmem:s13+$0x70] =	vst v19;
	v18 =	vsel vm3, $0x0, v18;
	v14 =	vmul.f32 v14, v7;
	v11 =	vmul.f32 v15, v59  }
0xf3: {  	[tilespmem:s13+$0x50] =	vst v18;
	v8 =	vsel vm10, $0x0, v8;
	v9 =	vmul.f32 v12, v9;
	v10 =	vmul.f32 v10, v7  }
0xf4: {  	v62 =	vsel vm9, $0x0, v14;
	[tilespmem:s13+$0x20] =	vst v8;
	vm13 =	vlt.s32 v58, v6;
	v11 =	vmul.f32 v11, v7  }
0xf5: {  	[tilespmem:s13+$0x60] =	vst v62;
	vm14 =	vlt.s32 v60, v6;
	v7 =	vmul.f32 v9, v7;
	v63 =	vsel vm13, $0x0, v10  }
0xf6: {  	s11 =	sadd.s32 $0x1, s11;
	vm15 =	vlt.s32 v61, v6;
	v6 =	vsel vm14, $0x0, v11;
	[tilespmem:s13+$0x0] =	vst v63  }
0xf7: {  	p0 =	sne.s32 s11, $0x40;
	[tilespmem:s13+$0x10] =	vst v6;
	v6 =	vsel vm15, $0x0, v7  }
.Ltmp5:
0xf8: {  	s12 =	sadd.s32 s4, s12;
	[tilespmem:s13+$0x30] =	vst v6;
	(pc) =	sbr.rel @p0 .LBB2_2-.Ltmp5, $4  }
0xf9: {  	[hbm4b:s12+s7] =	stream.strided.scatter [tilespmem:s1], [sflag:$0x1], $0x800, s8, s7, $0x38;
	[tilespmem:$0x1000] =	vst v63  }
0xfa: {  	_ =	swait.ge [sflag:s9], $0x800  }
0xfb: {  	[sflag:s9] =	ssyncset.done $0x0  }
0xfc: {  	[sflag:s9] =	ssyncadd.s32 $0xFFFFF800  }
0xfd: {  	s10 =	sadd.s32 $0x1, s10  }
0xfe: {  	p0 =	sne.s32 s10, s6  }
.Ltmp6:
0xff: {  	_ = 	snop;
	(pc) =	sbr.rel @p0 .LBB2_1-.Ltmp6, $1  }
0x100: {  	_ =	sdelay $0x3  }
0x101: {  	_ =	sfence.sel $0x180000  }
0x102: {  	[bflag:$0x0] =	sbarrier.arrive $0xFFFF  }
0x103: {  	p0 =	sne.s32 s3, $0x0;
	_ =	strace $0x90000047  }
0x104: {  	s0 =	sadd.s32 @!p0 $0x100000, s0;
	[bflag:$0x2] =	sbarrier.arrive $0xFFFF  }
0x105: {  	[sflag:s0] =	ssyncadd.tile.s32 @!p0 $0x1;
	_ =	shalt  }
.Lfunc_end2:
_tile_overlayer_lowered:
.L_overlay_start_2:
0x106: {  	(tag) =	ssettag $0x2  }
0x107: {  	s0 =	rddreg [dreg:$0x0];
	s2 =	stileid.u32  }
0x108: {  	s1 =	rddreg [dreg:$0x1];
	p0 =	sne.s32 s2, $0x0  }
0x109: {  	s3 =	rddreg [dreg:$0x2];
	[bflag:$0x3] =	sbarrier.arrive $0xFFFF;
	s2 =	simm.s32 @!p0 $0x1C01  }
0x10a: {  	[timem:s3], [sflag:s2] =	dma.local @!p0 [hbm:s0], s1  }
0x10b: {  	s0 =	simm.s32 @!p0 $0x1  }
0x10c: {  	_ =	swait.ge @!p0 [sflag:s0], s1  }
0x10d: {  	s1 =	ssub.s32 @!p0 $0x0, s1;
	[sflag:s0] =	ssyncset.done @!p0 $0x0  }
0x10e: {  	[sflag:s0] =	ssyncadd.s32 @!p0 s1  }
0x10f: {  	[bflag:$0x3] =	sbarrier.arrive $0xFFFF  }
0x110: {  	_ =	shalt  }

</sc_bundles>
